<compile_context>
chip_gen: v7x
topology: tpu7x:2x2x1
jax: 0.10.2.dev20260603
libtpu: 0.0.44.dev20260713+nightly
codegen_flags: <defaults>
</compile_context>

<pallas_src>
import functools

import jax
import jax.numpy as jnp
import numpy as np
from jax import lax
from jax.experimental import pallas as pl
from jax.experimental.pallas import tpu as pltpu
from jax.experimental.pallas import tpu_sc as plsc

N = 10000
E = 320000
D = 128
DE = 16
H = 64
C = 40
G = 64
NEG_SLOPE = 0.2

NC = 2
NS = 16
NW = NC * NS
EW = E // NW
EB = 40
NCH = EW // EB
NP = 10240
RPT = NP // NS


def _perm(width):
    p = np.zeros(width, np.int64)
    for j in range(width // 32):
        for i in range(16):
            for k in range(2):
                p[32 * j + 2 * i + k] = 32 * j + 16 * k + i
    return p


P128 = _perm(D)
P64 = _perm(H)



def _edge_stats_body(ea_ref, out_ref):
    @pl.when(pl.program_id(0) == 0)
    def _():
        out_ref[...] = jnp.zeros_like(out_ref)
    blk = ea_ref[...]
    s0 = jnp.sum(blk, axis=0)
    s1 = jnp.sum(blk * blk, axis=0)
    out_ref[...] += jnp.stack([s0, s1])


def _edge_stats(edge_attr):
    BE = 8000
    return pl.pallas_call(
        _edge_stats_body,
        grid=(E // BE,),
        in_specs=[pl.BlockSpec((BE, DE), lambda i: (i, 0))],
        out_specs=pl.BlockSpec((2, DE), lambda i: (0, 0)),
        out_shape=jax.ShapeDtypeStruct((2, DE), jnp.float32),
    )(edge_attr)


def _node_bn_body(x_ref, g_ref, b_ref, out_ref):
    x = x_ref[...]
    mean = jnp.mean(x, axis=0, keepdims=True)
    var = jnp.var(x, axis=0, keepdims=True)
    out_ref[...] = (x - mean) / jnp.sqrt(var + 1e-5) * g_ref[...] + b_ref[...]


def _node_bn(x, node_g, node_b):
    return pl.pallas_call(
        _node_bn_body,
        out_shape=jax.ShapeDtypeStruct((N, D), jnp.float32),
    )(x, node_g.reshape(1, D), node_b.reshape(1, D))


def _pack_bf16(y):
    r, f = y.shape
    yb = y.astype(jnp.bfloat16).astype(jnp.float32)
    bits = lax.bitcast_convert_type(yb, jnp.int32).reshape(r, f // 32, 32)
    lo = lax.shift_right_logical(bits[:, :, :16], 16)
    hi = lax.bitwise_and(bits[:, :, 16:], jnp.int32(-65536))
    return lax.bitwise_or(lo, hi).reshape(r, f // 2)


def _edge_mm_body(ea_ref, w0_ref, b0_ref, w1_ref, b1_ref, w2_ref, b2_ref,
                  e0_ref, e1_ref, e2_ref):
    ea = ea_ref[...]
    e0_ref[...] = jnp.dot(ea, w0_ref[...], preferred_element_type=jnp.float32) + b0_ref[...]
    e1_ref[...] = jnp.dot(ea, w1_ref[...], preferred_element_type=jnp.float32) + b1_ref[...]
    e2_ref[...] = jnp.dot(ea, w2_ref[...], preferred_element_type=jnp.float32) + b2_ref[...]


def _edge_mm(edge_attr, w0, b0, w1, b1, w2, b2):
    BE = 8000
    full = lambda r, c: pl.BlockSpec((r, c), lambda i: (0, 0))
    return pl.pallas_call(
        _edge_mm_body,
        grid=(E // BE,),
        in_specs=[pl.BlockSpec((BE, DE), lambda i: (i, 0)),
                  full(DE, D), full(1, D), full(DE, H), full(1, H),
                  full(DE, H), full(1, H)],
        out_specs=[pl.BlockSpec((BE, D), lambda i: (i, 0)),
                   pl.BlockSpec((BE, H), lambda i: (i, 0)),
                   pl.BlockSpec((BE, H), lambda i: (i, 0))],
        out_shape=[jax.ShapeDtypeStruct((E, D), jnp.float32),
                   jax.ShapeDtypeStruct((E, H), jnp.float32),
                   jax.ShapeDtypeStruct((E, H), jnp.float32)],
    )(edge_attr, w0, b0.reshape(1, D), w1, b1.reshape(1, H),
      w2, b2.reshape(1, H))


def _mlp_body(din, fa, pad_out, x_ref, a0_ref, a1_ref, eps_ref, w1_ref,
              b1_ref, w2_ref, b2_ref, out_ref):
    h = ((1.0 + eps_ref[0, 0]) * x_ref[...][:, :din]
         + a0_ref[0][:, :din] + a1_ref[0][:, :din])
    h = jnp.maximum(jnp.dot(h, w1_ref[...], preferred_element_type=jnp.float32)
                    + b1_ref[...], 0.0)
    y = jnp.dot(h, w2_ref[...], preferred_element_type=jnp.float32) + b2_ref[...]
    y = jnp.where(y >= 0.0, y, NEG_SLOPE * y)
    if pad_out:
        y = jnp.concatenate([y, jnp.zeros_like(y)], axis=1)
    out_ref[...] = y


def _mlp(x, aggr, eps, w1, b1, w2, b2, din, fa, pad_out):
    BN = 2000
    dout = 2 * H if pad_out else H
    full = lambda r, c: pl.BlockSpec((r, c), lambda i: (0, 0))
    return pl.pallas_call(
        functools.partial(_mlp_body, din, fa, pad_out),
        grid=(N // BN,),
        in_specs=[pl.BlockSpec((BN, D), lambda i: (i, 0)),
                  pl.BlockSpec((1, BN, fa), lambda i: (0, i, 0)),
                  pl.BlockSpec((1, BN, fa), lambda i: (1, i, 0)),
                  full(1, 1), full(din, H), full(1, H),
                  full(H, H), full(1, H)],
        out_specs=pl.BlockSpec((BN, dout), lambda i: (i, 0)),
        out_shape=jax.ShapeDtypeStruct((N, dout), jnp.float32),
    )(x, aggr, aggr, eps.reshape(1, 1), w1, b1.reshape(1, H),
      w2, b2.reshape(1, H))


def _seg_max_body(x_ref, b_ref, t_ref, out_ref):
    @pl.when(pl.program_id(0) == 0)
    def _():
        out_ref[...] = jnp.full_like(out_ref, -3e38)
    rows = x_ref[...] * t_ref[0, 0]
    bc = b_ref[...]
    m3 = bc[:, :, None] == lax.broadcasted_iota(jnp.int32, (1, G, 1), 1)
    vals = jnp.where(m3, rows[:, None, :], -3e38)
    out_ref[...] = jnp.maximum(out_ref[...], jnp.max(vals, axis=0))


def _seg_max(x, batch2, t):
    CH = 400
    return pl.pallas_call(
        _seg_max_body,
        grid=(N // CH,),
        in_specs=[pl.BlockSpec((CH, H), lambda i: (i, 0)),
                  pl.BlockSpec((CH, 1), lambda i: (i, 0)),
                  pl.BlockSpec((1, 1), lambda i: (0, 0))],
        out_specs=pl.BlockSpec((G, H), lambda i: (0, 0)),
        out_shape=jax.ShapeDtypeStruct((G, H), jnp.float32),
    )(x, batch2, t)


def _readout_body(x_ref, b_ref, t_ref, wl_ref, bl_ref, smax_ref, out_ref):
    xv = x_ref[...]
    s = xv * t_ref[0, 0]
    b = b_ref[...]
    onehot = (b == lax.broadcasted_iota(jnp.int32, (1, G), 1)).astype(jnp.float32)
    smax = smax_ref[...]
    sm_n = jnp.dot(onehot, smax, preferred_element_type=jnp.float32)
    es = jnp.exp(s - sm_n)
    denom = lax.dot_general(onehot, es, (((0,), (0,)), ((), ())),
                            preferred_element_type=jnp.float32)
    den_n = jnp.dot(onehot, denom, preferred_element_type=jnp.float32)
    alpha = es / (den_n + 1e-16)
    seg = lax.dot_general(onehot, alpha * xv, (((0,), (0,)), ((), ())),
                          preferred_element_type=jnp.float32)
    out_ref[...] = jnp.dot(seg, wl_ref[...], preferred_element_type=jnp.float32) + bl_ref[...]


def _readout(x, batch, t, wl, bl):
    batch2 = batch.reshape(N, 1)
    t2 = t.reshape(1, 1)
    smax = _seg_max(x, batch2, t2)
    return pl.pallas_call(
        _readout_body,
        out_shape=jax.ShapeDtypeStruct((G, C), jnp.float32),
    )(x, batch2, t2, wl, bl.reshape(1, C), smax)



@functools.partial(jax.jit, static_argnames=("FE",))
def _sc_edge(x, src3, dst3, e, zrows, FE):
    mesh = plsc.VectorSubcoreMesh(core_axis_name="c", subcore_axis_name="s")
    inplace = True

    @functools.partial(
        pl.kernel,
        out_type=jax.ShapeDtypeStruct((NC, NP, D), jnp.float32),
        mesh=mesh,
        scratch_types=[
            pltpu.VMEM((2, EB), jnp.int32),
            pltpu.VMEM((2, EB), jnp.int32),
            pltpu.VMEM((2, EB, D), jnp.float32),
            pltpu.VMEM((2, EB, FE), jnp.float32),
        ] + ([] if inplace else [pltpu.VMEM((EB, FE), jnp.float32)]) + [
            pltpu.VMEM_SHARED((NP, D), jnp.float32),
            pltpu.SemaphoreType.DMA,
            pltpu.SemaphoreType.DMA,
            pltpu.SemaphoreType.DMA,
            pltpu.SemaphoreType.DMA,
        ],
    )
    def k(x_hbm, src_hbm, dst_hbm, e_hbm, z_hbm, out_hbm,
          src_v, dst_v, xg_v, e_v, *rest):
        if inplace:
            m_v = None
            aggr_sh, sg0, sg1, se0, se1 = rest
        else:
            m_v, aggr_sh, sg0, sg1, se0, se1 = rest
        c = lax.axis_index("c")
        s = lax.axis_index("s")
        wid = c * NS + s
        pltpu.sync_copy(z_hbm, aggr_sh.at[pl.ds(s * RPT, RPT)])
        plsc.subcore_barrier()

        ebase = wid * EW
        sems = ((sg0, se0), (sg1, se1))

        def issue(ch, b):
            pltpu.sync_copy(src_hbm.at[wid, ch], src_v.at[b])
            pltpu.sync_copy(dst_hbm.at[wid, ch], dst_v.at[b])
            pltpu.async_copy(e_hbm.at[pl.ds(ebase + ch * EB, EB)], e_v.at[b],
                             sems[b][1])
            pltpu.async_copy(x_hbm.at[src_v.at[b]], xg_v.at[b], sems[b][0])

        issue(0, 0)
        issue(1, 1)

        def halfstep(ch, b):
            pltpu.make_async_copy(e_hbm.at[pl.ds(0, EB)], e_v.at[b],
                                  sems[b][1]).wait()
            pltpu.make_async_copy(x_hbm.at[src_v.at[b]], xg_v.at[b],
                                  sems[b][0]).wait()

            def row(r, carry2):
                for j in range(FE // 16):
                    sl = pl.ds(j * 16, 16)
                    v = jnp.maximum(xg_v[b, r, sl] + e_v[b, r, sl], 0.0)
                    if inplace:
                        xg_v[b, r, sl] = v
                    else:
                        m_v[r, sl] = v
                return carry2

            lax.fori_loop(0, EB, row, 0)
            if inplace:
                pltpu.sync_copy(xg_v.at[b], aggr_sh.at[dst_v.at[b]], add=True)
            else:
                pltpu.sync_copy(m_v, aggr_sh.at[dst_v.at[b]], add=True)

            @pl.when(ch + 2 < NCH)
            def _():
                issue(ch + 2, b)

        def body(j, carry):
            halfstep(2 * j, 0)
            halfstep(2 * j + 1, 1)
            return carry

        lax.fori_loop(0, NCH // 2, body, 0)
        plsc.subcore_barrier()
        pltpu.sync_copy(aggr_sh.at[pl.ds(s * RPT, RPT)],
                        out_hbm.at[c, pl.ds(s * RPT, RPT)])

    return k(x, src3, dst3, e, zrows)



def kernel(x, edge_index, edge_attr, batch, node_g, node_b, edge_g, edge_b,
           eps0, We0, be0, W10, b10, W20, b20,
           eps1, We1, be1, W11, b11, W21, b21,
           eps2, We2, be2, W12, b12, W22, b22,
           t, Wl, bl):
    src3 = edge_index[0].reshape(NW, NCH, EB)
    dst3 = edge_index[1].reshape(NW, NCH, EB)

    stats = _edge_stats(edge_attr)
    mean_e = stats[0] / E
    var_e = stats[1] / E - mean_e * mean_e
    scale = edge_g / jnp.sqrt(var_e + 1e-5)
    shift = edge_b - mean_e * scale
    Wp = [We * scale[:, None] for We in (We0, We1, We2)]
    bp = [shift @ We + be for We, be in ((We0, be0), (We1, be1), (We2, be2))]
    e0, e1, e2 = _edge_mm(edge_attr, Wp[0], bp[0], Wp[1], bp[1], Wp[2], bp[2])

    xc = _node_bn(x, node_g, node_b)

    z128 = jnp.zeros((RPT, D), jnp.float32)
    z64 = jnp.zeros((RPT, H), jnp.float32)

    aggr = _sc_edge(xc, src3, dst3, e0, z128, FE=D)
    xc = _mlp(xc, aggr, eps0, W10, b10, W20, b20, din=D, fa=D, pad_out=True)

    aggr = _sc_edge(xc, src3, dst3, e1, z128, FE=H)
    xc = _mlp(xc, aggr, eps1, W11, b11, W21, b21, din=H, fa=D, pad_out=True)

    aggr = _sc_edge(xc, src3, dst3, e2, z128, FE=H)
    xc = _mlp(xc, aggr, eps2, W12, b12, W22, b22, din=H, fa=D, pad_out=False)

    return _readout(xc, batch, t, Wl, bl)

# --- scband reference (transcript-rebuilt; emitter-appended) ---
"""Pipeline reference for scband-gine-39015482917697 (READ-ONLY COPY).

The authoritative reference and input builder live on the scoring server;
editing this copy changes nothing except your own understanding.
"""

import jax, jax.numpy as jnp
import numpy as np

N = 10000
E = 320000
D = 128
DE = 16
H = 64
C = 40
G = 64
NEG_SLOPE = 0.2


def batchnorm(x, gamma, beta, eps=1e-5):
    mean = jnp.mean(x, axis=0, keepdims=True)
    var = jnp.var(x, axis=0, keepdims=True)
    return (x - mean) / jnp.sqrt(var + eps) * gamma + beta


def gine_conv(x, edge_index, edge_attr, eps, We, be, W1, b1, W2, b2):
    src = edge_index[0]
    dst = edge_index[1]
    e = edge_attr @ We + be
    msg = jax.nn.relu(x[src] + e)
    aggr = jax.ops.segment_sum(msg, dst, num_segments=x.shape[0])
    h = (1.0 + eps) * x + aggr
    h = jax.nn.relu(h @ W1 + b1)
    return h @ W2 + b2


def softmax_aggr(x, batch, t, num_segments):
    s = x * t
    smax = jax.ops.segment_max(s, batch, num_segments=num_segments)
    s = s - smax[batch]
    es = jnp.exp(s)
    denom = jax.ops.segment_sum(es, batch, num_segments=num_segments)
    alpha = es / (denom[batch] + 1e-16)
    return jax.ops.segment_sum(alpha * x, batch, num_segments=num_segments)


def setup_inputs(seed: int = 0):
    key = jax.random.key(seed)
    ks = jax.random.split(key, 40)
    inp = {}
    inp['x'] = jax.random.normal(ks[0], (N, D), dtype=jnp.float32)
    inp['edge_index'] = jax.random.randint(ks[1], (2, E), 0, N, dtype=jnp.int32)
    inp['edge_attr'] = jax.random.normal(ks[2], (E, DE), dtype=jnp.float32)
    inp['batch'] = jnp.sort(jax.random.randint(ks[3], (N,), 0, G, dtype=jnp.int32))
    inp['node_g'] = jnp.ones((D,), jnp.float32)
    inp['node_b'] = jnp.zeros((D,), jnp.float32)
    inp['edge_g'] = jnp.ones((DE,), jnp.float32)
    inp['edge_b'] = jnp.zeros((DE,), jnp.float32)
    dims = [(D, H), (H, H), (H, H)]
    i = 4
    for li, (din, dout) in enumerate(dims):
        inp['eps%d' % li] = jnp.zeros((), jnp.float32)
        inp['We%d' % li] = jax.random.normal(ks[i], (DE, din), jnp.float32) * (1.0 / np.sqrt(DE)); i += 1
        inp['be%d' % li] = jnp.zeros((din,), jnp.float32)
        inp['W1%d' % li] = jax.random.normal(ks[i], (din, H), jnp.float32) * (1.0 / np.sqrt(din)); i += 1
        inp['b1%d' % li] = jnp.zeros((H,), jnp.float32)
        inp['W2%d' % li] = jax.random.normal(ks[i], (H, dout), jnp.float32) * (1.0 / np.sqrt(H)); i += 1
        inp['b2%d' % li] = jnp.zeros((dout,), jnp.float32)
    inp['t'] = jnp.ones((), jnp.float32)
    inp['Wl'] = jax.random.normal(ks[i], (H, C), jnp.float32) * (1.0 / np.sqrt(H))
    inp['bl'] = jnp.zeros((C,), jnp.float32)
    return inp


def reference(x, edge_index, edge_attr, batch,
              node_g, node_b, edge_g, edge_b,
              eps0, We0, be0, W10, b10, W20, b20,
              eps1, We1, be1, W11, b11, W21, b21,
              eps2, We2, be2, W12, b12, W22, b22,
              t, Wl, bl):
    x = batchnorm(x, node_g, node_b)
    edge_attr = batchnorm(edge_attr, edge_g, edge_b)
    layers = [(eps0, We0, be0, W10, b10, W20, b20),
              (eps1, We1, be1, W11, b11, W21, b21),
              (eps2, We2, be2, W12, b12, W22, b22)]
    for p in layers:
        x = gine_conv(x, edge_index, edge_attr, *p)
        x = jax.nn.leaky_relu(x, NEG_SLOPE)
    out = softmax_aggr(x, batch, t, G)
    return out @ Wl + bl

if __name__ == "__main__":
    import jax
    _d = setup_inputs()
    print(jax.jit(kernel)(*tuple(_d.values())))

</pallas_src>

<mosaic_0001>
#map = affine_map<(d0, d1) -> (0, 0)>
#map1 = affine_map<(d0, d1) -> (0, 0, 0)>
module attributes {stable_mosaic.version = 14 : i64} {
  func.func @k(%arg0: i32, %arg1: i32, %arg2: memref<10000x128xf32, #tpu.memory_space<hbm>>, %arg3: memref<32x250x40xi32, #tpu.memory_space<hbm>>, %arg4: memref<32x250x40xi32, #tpu.memory_space<hbm>>, %arg5: memref<320000x128xf32, #tpu.memory_space<hbm>>, %arg6: memref<640x128xf32, #tpu.memory_space<hbm>>, %arg7: memref<2x10240x128xf32, #tpu.memory_space<hbm>>, %arg8: memref<2x40xi32, #tpu.memory_space<vmem>>, %arg9: memref<2x40xi32, #tpu.memory_space<vmem>>, %arg10: memref<2x40x128xf32, #tpu.memory_space<vmem>>, %arg11: memref<2x40x128xf32, #tpu.memory_space<vmem>>, %arg12: memref<10240x128xf32, #tpu.memory_space<vmem_shared>>, %arg13: memref<!tpu.dma_semaphore, #tpu.memory_space<semaphore_mem>>, %arg14: memref<!tpu.dma_semaphore, #tpu.memory_space<semaphore_mem>>, %arg15: memref<!tpu.dma_semaphore, #tpu.memory_space<semaphore_mem>>, %arg16: memref<!tpu.dma_semaphore, #tpu.memory_space<semaphore_mem>>) attributes {dimension_semantics = [#tpu.dimension_semantics<core_parallel>, #tpu.dimension_semantics<subcore_parallel>], iteration_bounds = array<i64: 2, 16>, scalar_prefetch = 0 : i64, scratch_operands = 9 : i64, tpu.core_type = #tpu.core_type<sc_vector_subcore>, window_params = [{transform_indices = #map}, {transform_indices = #map1}, {transform_indices = #map1}, {transform_indices = #map}, {transform_indices = #map}, {transform_indices = #map1}]} {
    %mul3A = arith.constant 16 : i32
    %mul3A_0 = arith.muli %arg0, %mul3A : i32
    %add3A = arith.addi %mul3A_0, %arg1 : i32
    %mul3A_1 = arith.constant 640 : i32
    %mul3A_2 = arith.muli %arg1, %mul3A_1 : i32
    "tpu.region"() ({
      %run_scoped3A_75 = tpu.sem_alloc : memref<!tpu.dma_semaphore, #tpu.memory_space<semaphore_mem>>
      %dma_start3A_76 = arith.constant 0 : i32
      %dma_start3A_77 = tpu.memref_slice %arg12[%mul3A_2, %dma_start3A_76] : memref<10240x128xf32, #tpu.memory_space<vmem_shared>> -> memref<640x128xf32, #tpu.memory_space<vmem_shared>>
      tpu.enqueue_dma source(%arg6 : memref<640x128xf32, #tpu.memory_space<hbm>>) target(%dma_start3A_77 : memref<640x128xf32, #tpu.memory_space<vmem_shared>>) target_semaphore(%run_scoped3A_75 : memref<!tpu.dma_semaphore, #tpu.memory_space<semaphore_mem>>)
      %dma_wait3A = arith.constant 0 : i32
      %dma_wait3A_78 = tpu.memref_slice %arg12[%mul3A_2, %dma_wait3A] : memref<10240x128xf32, #tpu.memory_space<vmem_shared>> -> memref<640x128xf32, #tpu.memory_space<vmem_shared>>
      tpu.wait_dma2 semaphore(%run_scoped3A_75 : memref<!tpu.dma_semaphore, #tpu.memory_space<semaphore_mem>>) src(%arg6 : memref<640x128xf32, #tpu.memory_space<hbm>>) dst(%dma_wait3A_78 : memref<640x128xf32, #tpu.memory_space<vmem_shared>>)
      tpu.yield
    }) : () -> ()
    %barrier3A = arith.constant 0 : index
    tpu.barrier barrier_id(%barrier3A)
    %mul3A_3 = arith.constant 10000 : i32
    %mul3A_4 = arith.muli %add3A, %mul3A_3 : i32
    %run_scoped3A = arith.constant 0 : i32
    %run_scoped3A_5 = arith.constant 0 : i32
    "tpu.region"() ({
      %run_scoped3A_75 = tpu.sem_alloc : memref<!tpu.dma_semaphore, #tpu.memory_space<semaphore_mem>>
      %dma_start3A_76 = arith.constant 0 : i32
      %dma_start3A_77 = tpu.memref_slice %arg8[%run_scoped3A_5, %dma_start3A_76] : memref<2x40xi32, #tpu.memory_space<vmem>> -> memref<1x40xi32, #tpu.memory_space<vmem>>
      %dma_start3A_78 = tpu.memref_squeeze %dma_start3A_77 : memref<1x40xi32, #tpu.memory_space<vmem>> -> memref<40xi32, #tpu.memory_space<vmem>>
      %dma_start3A_79 = arith.constant 0 : i32
      %dma_start3A_80 = tpu.memref_slice %arg3[%add3A, %run_scoped3A, %dma_start3A_79] : memref<32x250x40xi32, #tpu.memory_space<hbm>> -> memref<1x1x40xi32, #tpu.memory_space<hbm>>
      %dma_start3A_81 = tpu.memref_squeeze %dma_start3A_80 : memref<1x1x40xi32, #tpu.memory_space<hbm>> -> memref<40xi32, #tpu.memory_space<hbm>>
      %dma_start3A_82 = arith.constant 0 : i32
      %dma_start3A_83 = tpu.memref_slice %arg8[%run_scoped3A_5, %dma_start3A_82] : memref<2x40xi32, #tpu.memory_space<vmem>> -> memref<1x40xi32, #tpu.memory_space<vmem>>
      %dma_start3A_84 = tpu.memref_squeeze %dma_start3A_83 : memref<1x40xi32, #tpu.memory_space<vmem>> -> memref<40xi32, #tpu.memory_space<vmem>>
      %dma_start3A_85 = arith.constant 0 : i32
      %dma_start3A_86 = tpu.memref_slice %arg3[%add3A, %run_scoped3A, %dma_start3A_85] : memref<32x250x40xi32, #tpu.memory_space<hbm>> -> memref<1x1x40xi32, #tpu.memory_space<hbm>>
      %dma_start3A_87 = tpu.memref_squeeze %dma_start3A_86 : memref<1x1x40xi32, #tpu.memory_space<hbm>> -> memref<40xi32, #tpu.memory_space<hbm>>
      tpu.enqueue_dma source(%dma_start3A_87 : memref<40xi32, #tpu.memory_space<hbm>>) target(%dma_start3A_84 : memref<40xi32, #tpu.memory_space<vmem>>) target_semaphore(%run_scoped3A_75 : memref<!tpu.dma_semaphore, #tpu.memory_space<semaphore_mem>>)
      %dma_wait3A = arith.constant 0 : i32
      %dma_wait3A_88 = tpu.memref_slice %arg8[%run_scoped3A_5, %dma_wait3A] : memref<2x40xi32, #tpu.memory_space<vmem>> -> memref<1x40xi32, #tpu.memory_space<vmem>>
      %dma_wait3A_89 = tpu.memref_squeeze %dma_wait3A_88 : memref<1x40xi32, #tpu.memory_space<vmem>> -> memref<40xi32, #tpu.memory_space<vmem>>
      %dma_wait3A_90 = arith.constant 0 : i32
      %dma_wait3A_91 = tpu.memref_slice %arg3[%add3A, %run_scoped3A, %dma_wait3A_90] : memref<32x250x40xi32, #tpu.memory_space<hbm>> -> memref<1x1x40xi32, #tpu.memory_space<hbm>>
      %dma_wait3A_92 = tpu.memref_squeeze %dma_wait3A_91 : memref<1x1x40xi32, #tpu.memory_space<hbm>> -> memref<40xi32, #tpu.memory_space<hbm>>
      %dma_wait3A_93 = arith.constant 0 : i32
      %dma_wait3A_94 = tpu.memref_slice %arg8[%run_scoped3A_5, %dma_wait3A_93] : memref<2x40xi32, #tpu.memory_space<vmem>> -> memref<1x40xi32, #tpu.memory_space<vmem>>
      %dma_wait3A_95 = tpu.memref_squeeze %dma_wait3A_94 : memref<1x40xi32, #tpu.memory_space<vmem>> -> memref<40xi32, #tpu.memory_space<vmem>>
      %dma_wait3A_96 = arith.constant 0 : i32
      %dma_wait3A_97 = tpu.memref_slice %arg3[%add3A, %run_scoped3A, %dma_wait3A_96] : memref<32x250x40xi32, #tpu.memory_space<hbm>> -> memref<1x1x40xi32, #tpu.memory_space<hbm>>
      %dma_wait3A_98 = tpu.memref_squeeze %dma_wait3A_97 : memref<1x1x40xi32, #tpu.memory_space<hbm>> -> memref<40xi32, #tpu.memory_space<hbm>>
      tpu.wait_dma2 semaphore(%run_scoped3A_75 : memref<!tpu.dma_semaphore, #tpu.memory_space<semaphore_mem>>) src(%dma_wait3A_98 : memref<40xi32, #tpu.memory_space<hbm>>) dst(%dma_wait3A_95 : memref<40xi32, #tpu.memory_space<vmem>>)
      tpu.yield
    }) : () -> ()
    %run_scoped3A_6 = arith.constant 0 : i32
    %run_scoped3A_7 = arith.constant 0 : i32
    "tpu.region"() ({
      %run_scoped3A_75 = tpu.sem_alloc : memref<!tpu.dma_semaphore, #tpu.memory_space<semaphore_mem>>
      %dma_start3A_76 = arith.constant 0 : i32
      %dma_start3A_77 = tpu.memref_slice %arg9[%run_scoped3A_7, %dma_start3A_76] : memref<2x40xi32, #tpu.memory_space<vmem>> -> memref<1x40xi32, #tpu.memory_space<vmem>>
      %dma_start3A_78 = tpu.memref_squeeze %dma_start3A_77 : memref<1x40xi32, #tpu.memory_space<vmem>> -> memref<40xi32, #tpu.memory_space<vmem>>
      %dma_start3A_79 = arith.constant 0 : i32
      %dma_start3A_80 = tpu.memref_slice %arg4[%add3A, %run_scoped3A_6, %dma_start3A_79] : memref<32x250x40xi32, #tpu.memory_space<hbm>> -> memref<1x1x40xi32, #tpu.memory_space<hbm>>
      %dma_start3A_81 = tpu.memref_squeeze %dma_start3A_80 : memref<1x1x40xi32, #tpu.memory_space<hbm>> -> memref<40xi32, #tpu.memory_space<hbm>>
      %dma_start3A_82 = arith.constant 0 : i32
      %dma_start3A_83 = tpu.memref_slice %arg9[%run_scoped3A_7, %dma_start3A_82] : memref<2x40xi32, #tpu.memory_space<vmem>> -> memref<1x40xi32, #tpu.memory_space<vmem>>
      %dma_start3A_84 = tpu.memref_squeeze %dma_start3A_83 : memref<1x40xi32, #tpu.memory_space<vmem>> -> memref<40xi32, #tpu.memory_space<vmem>>
      %dma_start3A_85 = arith.constant 0 : i32
      %dma_start3A_86 = tpu.memref_slice %arg4[%add3A, %run_scoped3A_6, %dma_start3A_85] : memref<32x250x40xi32, #tpu.memory_space<hbm>> -> memref<1x1x40xi32, #tpu.memory_space<hbm>>
      %dma_start3A_87 = tpu.memref_squeeze %dma_start3A_86 : memref<1x1x40xi32, #tpu.memory_space<hbm>> -> memref<40xi32, #tpu.memory_space<hbm>>
      tpu.enqueue_dma source(%dma_start3A_87 : memref<40xi32, #tpu.memory_space<hbm>>) target(%dma_start3A_84 : memref<40xi32, #tpu.memory_space<vmem>>) target_semaphore(%run_scoped3A_75 : memref<!tpu.dma_semaphore, #tpu.memory_space<semaphore_mem>>)
      %dma_wait3A = arith.constant 0 : i32
      %dma_wait3A_88 = tpu.memref_slice %arg9[%run_scoped3A_7, %dma_wait3A] : memref<2x40xi32, #tpu.memory_space<vmem>> -> memref<1x40xi32, #tpu.memory_space<vmem>>
      %dma_wait3A_89 = tpu.memref_squeeze %dma_wait3A_88 : memref<1x40xi32, #tpu.memory_space<vmem>> -> memref<40xi32, #tpu.memory_space<vmem>>
      %dma_wait3A_90 = arith.constant 0 : i32
      %dma_wait3A_91 = tpu.memref_slice %arg4[%add3A, %run_scoped3A_6, %dma_wait3A_90] : memref<32x250x40xi32, #tpu.memory_space<hbm>> -> memref<1x1x40xi32, #tpu.memory_space<hbm>>
      %dma_wait3A_92 = tpu.memref_squeeze %dma_wait3A_91 : memref<1x1x40xi32, #tpu.memory_space<hbm>> -> memref<40xi32, #tpu.memory_space<hbm>>
      %dma_wait3A_93 = arith.constant 0 : i32
      %dma_wait3A_94 = tpu.memref_slice %arg9[%run_scoped3A_7, %dma_wait3A_93] : memref<2x40xi32, #tpu.memory_space<vmem>> -> memref<1x40xi32, #tpu.memory_space<vmem>>
      %dma_wait3A_95 = tpu.memref_squeeze %dma_wait3A_94 : memref<1x40xi32, #tpu.memory_space<vmem>> -> memref<40xi32, #tpu.memory_space<vmem>>
      %dma_wait3A_96 = arith.constant 0 : i32
      %dma_wait3A_97 = tpu.memref_slice %arg4[%add3A, %run_scoped3A_6, %dma_wait3A_96] : memref<32x250x40xi32, #tpu.memory_space<hbm>> -> memref<1x1x40xi32, #tpu.memory_space<hbm>>
      %dma_wait3A_98 = tpu.memref_squeeze %dma_wait3A_97 : memref<1x1x40xi32, #tpu.memory_space<hbm>> -> memref<40xi32, #tpu.memory_space<hbm>>
      tpu.wait_dma2 semaphore(%run_scoped3A_75 : memref<!tpu.dma_semaphore, #tpu.memory_space<semaphore_mem>>) src(%dma_wait3A_98 : memref<40xi32, #tpu.memory_space<hbm>>) dst(%dma_wait3A_95 : memref<40xi32, #tpu.memory_space<vmem>>)
      tpu.yield
    }) : () -> ()
    %add3A_8 = arith.constant 0 : i32
    %add3A_9 = arith.addi %mul3A_4, %add3A_8 : i32
    %dma_start3A = arith.constant 0 : i32
    %dma_start3A_10 = arith.constant 0 : i32
    %dma_start3A_11 = arith.constant 0 : i32
    %dma_start3A_12 = tpu.memref_slice %arg11[%dma_start3A, %dma_start3A_10, %dma_start3A_11] : memref<2x40x128xf32, #tpu.memory_space<vmem>> -> memref<1x40x128xf32, #tpu.memory_space<vmem>>
    %dma_start3A_13 = tpu.memref_squeeze %dma_start3A_12 : memref<1x40x128xf32, #tpu.memory_space<vmem>> -> memref<40x128xf32, #tpu.memory_space<vmem>>
    %dma_start3A_14 = arith.constant 0 : i32
    %dma_start3A_15 = tpu.memref_slice %arg5[%add3A_9, %dma_start3A_14] : memref<320000x128xf32, #tpu.memory_space<hbm>> -> memref<40x128xf32, #tpu.memory_space<hbm>>
    %dma_start3A_16 = arith.constant 0 : i32
    %dma_start3A_17 = arith.constant 0 : i32
    %dma_start3A_18 = tpu.memref_slice %arg11[%dma_start3A, %dma_start3A_16, %dma_start3A_17] : memref<2x40x128xf32, #tpu.memory_space<vmem>> -> memref<1x40x128xf32, #tpu.memory_space<vmem>>
    %dma_start3A_19 = tpu.memref_squeeze %dma_start3A_18 : memref<1x40x128xf32, #tpu.memory_space<vmem>> -> memref<40x128xf32, #tpu.memory_space<vmem>>
    %dma_start3A_20 = arith.constant 0 : i32
    %dma_start3A_21 = tpu.memref_slice %arg5[%add3A_9, %dma_start3A_20] : memref<320000x128xf32, #tpu.memory_space<hbm>> -> memref<40x128xf32, #tpu.memory_space<hbm>>
    tpu.enqueue_dma source(%dma_start3A_21 : memref<40x128xf32, #tpu.memory_space<hbm>>) target(%dma_start3A_19 : memref<40x128xf32, #tpu.memory_space<vmem>>) target_semaphore(%arg15 : memref<!tpu.dma_semaphore, #tpu.memory_space<semaphore_mem>>)
    %dma_start3A_22 = arith.constant 0 : i32
    %dma_start3A_23 = arith.constant 0 : i32
    %dma_start3A_24 = arith.constant 0 : i32
    %dma_start3A_25 = arith.constant 0 : i32
    %dma_start3A_26 = tpu.memref_slice %arg10[%dma_start3A_23, %dma_start3A_24, %dma_start3A_25] : memref<2x40x128xf32, #tpu.memory_space<vmem>> -> memref<1x40x128xf32, #tpu.memory_space<vmem>>
    %dma_start3A_27 = tpu.memref_squeeze %dma_start3A_26 : memref<1x40x128xf32, #tpu.memory_space<vmem>> -> memref<40x128xf32, #tpu.memory_space<vmem>>
    %dma_start3A_28 = arith.constant 0 : i32
    %dma_start3A_29 = tpu.memref_slice %arg8[%dma_start3A_22, %dma_start3A_28] : memref<2x40xi32, #tpu.memory_space<vmem>> -> memref<1x40xi32, #tpu.memory_space<vmem>>
    %dma_start3A_30 = tpu.memref_squeeze %dma_start3A_29 : memref<1x40xi32, #tpu.memory_space<vmem>> -> memref<40xi32, #tpu.memory_space<vmem>>
    %dma_start3A_31 = arith.constant 0 : i32
    %dma_start3A_32 = arith.constant 0 : i32
    %dma_start3A_33 = tpu.memref_slice %arg2[%dma_start3A_31, %dma_start3A_32] : memref<10000x128xf32, #tpu.memory_space<hbm>> -> memref<10000x128xf32, #tpu.memory_space<hbm>>
    tpu.enqueue_indirect_dma source(%dma_start3A_33 : memref<10000x128xf32, #tpu.memory_space<hbm>>) target(%dma_start3A_27 : memref<40x128xf32, #tpu.memory_space<vmem>>) offsets(%dma_start3A_30 : memref<40xi32, #tpu.memory_space<vmem>>) semaphore(%arg13 : memref<!tpu.dma_semaphore, #tpu.memory_space<semaphore_mem>>)
    %run_scoped3A_34 = arith.constant 1 : i32
    %run_scoped3A_35 = arith.constant 1 : i32
    "tpu.region"() ({
      %run_scoped3A_75 = tpu.sem_alloc : memref<!tpu.dma_semaphore, #tpu.memory_space<semaphore_mem>>
      %dma_start3A_76 = arith.constant 0 : i32
      %dma_start3A_77 = tpu.memref_slice %arg8[%run_scoped3A_35, %dma_start3A_76] : memref<2x40xi32, #tpu.memory_space<vmem>> -> memref<1x40xi32, #tpu.memory_space<vmem>>
      %dma_start3A_78 = tpu.memref_squeeze %dma_start3A_77 : memref<1x40xi32, #tpu.memory_space<vmem>> -> memref<40xi32, #tpu.memory_space<vmem>>
      %dma_start3A_79 = arith.constant 0 : i32
      %dma_start3A_80 = tpu.memref_slice %arg3[%add3A, %run_scoped3A_34, %dma_start3A_79] : memref<32x250x40xi32, #tpu.memory_space<hbm>> -> memref<1x1x40xi32, #tpu.memory_space<hbm>>
      %dma_start3A_81 = tpu.memref_squeeze %dma_start3A_80 : memref<1x1x40xi32, #tpu.memory_space<hbm>> -> memref<40xi32, #tpu.memory_space<hbm>>
      %dma_start3A_82 = arith.constant 0 : i32
      %dma_start3A_83 = tpu.memref_slice %arg8[%run_scoped3A_35, %dma_start3A_82] : memref<2x40xi32, #tpu.memory_space<vmem>> -> memref<1x40xi32, #tpu.memory_space<vmem>>
      %dma_start3A_84 = tpu.memref_squeeze %dma_start3A_83 : memref<1x40xi32, #tpu.memory_space<vmem>> -> memref<40xi32, #tpu.memory_space<vmem>>
      %dma_start3A_85 = arith.constant 0 : i32
      %dma_start3A_86 = tpu.memref_slice %arg3[%add3A, %run_scoped3A_34, %dma_start3A_85] : memref<32x250x40xi32, #tpu.memory_space<hbm>> -> memref<1x1x40xi32, #tpu.memory_space<hbm>>
      %dma_start3A_87 = tpu.memref_squeeze %dma_start3A_86 : memref<1x1x40xi32, #tpu.memory_space<hbm>> -> memref<40xi32, #tpu.memory_space<hbm>>
      tpu.enqueue_dma source(%dma_start3A_87 : memref<40xi32, #tpu.memory_space<hbm>>) target(%dma_start3A_84 : memref<40xi32, #tpu.memory_space<vmem>>) target_semaphore(%run_scoped3A_75 : memref<!tpu.dma_semaphore, #tpu.memory_space<semaphore_mem>>)
      %dma_wait3A = arith.constant 0 : i32
      %dma_wait3A_88 = tpu.memref_slice %arg8[%run_scoped3A_35, %dma_wait3A] : memref<2x40xi32, #tpu.memory_space<vmem>> -> memref<1x40xi32, #tpu.memory_space<vmem>>
      %dma_wait3A_89 = tpu.memref_squeeze %dma_wait3A_88 : memref<1x40xi32, #tpu.memory_space<vmem>> -> memref<40xi32, #tpu.memory_space<vmem>>
      %dma_wait3A_90 = arith.constant 0 : i32
      %dma_wait3A_91 = tpu.memref_slice %arg3[%add3A, %run_scoped3A_34, %dma_wait3A_90] : memref<32x250x40xi32, #tpu.memory_space<hbm>> -> memref<1x1x40xi32, #tpu.memory_space<hbm>>
      %dma_wait3A_92 = tpu.memref_squeeze %dma_wait3A_91 : memref<1x1x40xi32, #tpu.memory_space<hbm>> -> memref<40xi32, #tpu.memory_space<hbm>>
      %dma_wait3A_93 = arith.constant 0 : i32
      %dma_wait3A_94 = tpu.memref_slice %arg8[%run_scoped3A_35, %dma_wait3A_93] : memref<2x40xi32, #tpu.memory_space<vmem>> -> memref<1x40xi32, #tpu.memory_space<vmem>>
      %dma_wait3A_95 = tpu.memref_squeeze %dma_wait3A_94 : memref<1x40xi32, #tpu.memory_space<vmem>> -> memref<40xi32, #tpu.memory_space<vmem>>
      %dma_wait3A_96 = arith.constant 0 : i32
      %dma_wait3A_97 = tpu.memref_slice %arg3[%add3A, %run_scoped3A_34, %dma_wait3A_96] : memref<32x250x40xi32, #tpu.memory_space<hbm>> -> memref<1x1x40xi32, #tpu.memory_space<hbm>>
      %dma_wait3A_98 = tpu.memref_squeeze %dma_wait3A_97 : memref<1x1x40xi32, #tpu.memory_space<hbm>> -> memref<40xi32, #tpu.memory_space<hbm>>
      tpu.wait_dma2 semaphore(%run_scoped3A_75 : memref<!tpu.dma_semaphore, #tpu.memory_space<semaphore_mem>>) src(%dma_wait3A_98 : memref<40xi32, #tpu.memory_space<hbm>>) dst(%dma_wait3A_95 : memref<40xi32, #tpu.memory_space<vmem>>)
      tpu.yield
    }) : () -> ()
    %run_scoped3A_36 = arith.constant 1 : i32
    %run_scoped3A_37 = arith.constant 1 : i32
    "tpu.region"() ({
      %run_scoped3A_75 = tpu.sem_alloc : memref<!tpu.dma_semaphore, #tpu.memory_space<semaphore_mem>>
      %dma_start3A_76 = arith.constant 0 : i32
      %dma_start3A_77 = tpu.memref_slice %arg9[%run_scoped3A_37, %dma_start3A_76] : memref<2x40xi32, #tpu.memory_space<vmem>> -> memref<1x40xi32, #tpu.memory_space<vmem>>
      %dma_start3A_78 = tpu.memref_squeeze %dma_start3A_77 : memref<1x40xi32, #tpu.memory_space<vmem>> -> memref<40xi32, #tpu.memory_space<vmem>>
      %dma_start3A_79 = arith.constant 0 : i32
      %dma_start3A_80 = tpu.memref_slice %arg4[%add3A, %run_scoped3A_36, %dma_start3A_79] : memref<32x250x40xi32, #tpu.memory_space<hbm>> -> memref<1x1x40xi32, #tpu.memory_space<hbm>>
      %dma_start3A_81 = tpu.memref_squeeze %dma_start3A_80 : memref<1x1x40xi32, #tpu.memory_space<hbm>> -> memref<40xi32, #tpu.memory_space<hbm>>
      %dma_start3A_82 = arith.constant 0 : i32
      %dma_start3A_83 = tpu.memref_slice %arg9[%run_scoped3A_37, %dma_start3A_82] : memref<2x40xi32, #tpu.memory_space<vmem>> -> memref<1x40xi32, #tpu.memory_space<vmem>>
      %dma_start3A_84 = tpu.memref_squeeze %dma_start3A_83 : memref<1x40xi32, #tpu.memory_space<vmem>> -> memref<40xi32, #tpu.memory_space<vmem>>
      %dma_start3A_85 = arith.constant 0 : i32
      %dma_start3A_86 = tpu.memref_slice %arg4[%add3A, %run_scoped3A_36, %dma_start3A_85] : memref<32x250x40xi32, #tpu.memory_space<hbm>> -> memref<1x1x40xi32, #tpu.memory_space<hbm>>
      %dma_start3A_87 = tpu.memref_squeeze %dma_start3A_86 : memref<1x1x40xi32, #tpu.memory_space<hbm>> -> memref<40xi32, #tpu.memory_space<hbm>>
      tpu.enqueue_dma source(%dma_start3A_87 : memref<40xi32, #tpu.memory_space<hbm>>) target(%dma_start3A_84 : memref<40xi32, #tpu.memory_space<vmem>>) target_semaphore(%run_scoped3A_75 : memref<!tpu.dma_semaphore, #tpu.memory_space<semaphore_mem>>)
      %dma_wait3A = arith.constant 0 : i32
      %dma_wait3A_88 = tpu.memref_slice %arg9[%run_scoped3A_37, %dma_wait3A] : memref<2x40xi32, #tpu.memory_space<vmem>> -> memref<1x40xi32, #tpu.memory_space<vmem>>
      %dma_wait3A_89 = tpu.memref_squeeze %dma_wait3A_88 : memref<1x40xi32, #tpu.memory_space<vmem>> -> memref<40xi32, #tpu.memory_space<vmem>>
      %dma_wait3A_90 = arith.constant 0 : i32
      %dma_wait3A_91 = tpu.memref_slice %arg4[%add3A, %run_scoped3A_36, %dma_wait3A_90] : memref<32x250x40xi32, #tpu.memory_space<hbm>> -> memref<1x1x40xi32, #tpu.memory_space<hbm>>
      %dma_wait3A_92 = tpu.memref_squeeze %dma_wait3A_91 : memref<1x1x40xi32, #tpu.memory_space<hbm>> -> memref<40xi32, #tpu.memory_space<hbm>>
      %dma_wait3A_93 = arith.constant 0 : i32
      %dma_wait3A_94 = tpu.memref_slice %arg9[%run_scoped3A_37, %dma_wait3A_93] : memref<2x40xi32, #tpu.memory_space<vmem>> -> memref<1x40xi32, #tpu.memory_space<vmem>>
      %dma_wait3A_95 = tpu.memref_squeeze %dma_wait3A_94 : memref<1x40xi32, #tpu.memory_space<vmem>> -> memref<40xi32, #tpu.memory_space<vmem>>
      %dma_wait3A_96 = arith.constant 0 : i32
      %dma_wait3A_97 = tpu.memref_slice %arg4[%add3A, %run_scoped3A_36, %dma_wait3A_96] : memref<32x250x40xi32, #tpu.memory_space<hbm>> -> memref<1x1x40xi32, #tpu.memory_space<hbm>>
      %dma_wait3A_98 = tpu.memref_squeeze %dma_wait3A_97 : memref<1x1x40xi32, #tpu.memory_space<hbm>> -> memref<40xi32, #tpu.memory_space<hbm>>
      tpu.wait_dma2 semaphore(%run_scoped3A_75 : memref<!tpu.dma_semaphore, #tpu.memory_space<semaphore_mem>>) src(%dma_wait3A_98 : memref<40xi32, #tpu.memory_space<hbm>>) dst(%dma_wait3A_95 : memref<40xi32, #tpu.memory_space<vmem>>)
      tpu.yield
    }) : () -> ()
    %add3A_38 = arith.constant 40 : i32
    %add3A_39 = arith.addi %mul3A_4, %add3A_38 : i32
    %dma_start3A_40 = arith.constant 1 : i32
    %dma_start3A_41 = arith.constant 0 : i32
    %dma_start3A_42 = arith.constant 0 : i32
    %dma_start3A_43 = tpu.memref_slice %arg11[%dma_start3A_40, %dma_start3A_41, %dma_start3A_42] : memref<2x40x128xf32, #tpu.memory_space<vmem>> -> memref<1x40x128xf32, #tpu.memory_space<vmem>>
    %dma_start3A_44 = tpu.memref_squeeze %dma_start3A_43 : memref<1x40x128xf32, #tpu.memory_space<vmem>> -> memref<40x128xf32, #tpu.memory_space<vmem>>
    %dma_start3A_45 = arith.constant 0 : i32
    %dma_start3A_46 = tpu.memref_slice %arg5[%add3A_39, %dma_start3A_45] : memref<320000x128xf32, #tpu.memory_space<hbm>> -> memref<40x128xf32, #tpu.memory_space<hbm>>
    %dma_start3A_47 = arith.constant 0 : i32
    %dma_start3A_48 = arith.constant 0 : i32
    %dma_start3A_49 = tpu.memref_slice %arg11[%dma_start3A_40, %dma_start3A_47, %dma_start3A_48] : memref<2x40x128xf32, #tpu.memory_space<vmem>> -> memref<1x40x128xf32, #tpu.memory_space<vmem>>
    %dma_start3A_50 = tpu.memref_squeeze %dma_start3A_49 : memref<1x40x128xf32, #tpu.memory_space<vmem>> -> memref<40x128xf32, #tpu.memory_space<vmem>>
    %dma_start3A_51 = arith.constant 0 : i32
    %dma_start3A_52 = tpu.memref_slice %arg5[%add3A_39, %dma_start3A_51] : memref<320000x128xf32, #tpu.memory_space<hbm>> -> memref<40x128xf32, #tpu.memory_space<hbm>>
    tpu.enqueue_dma source(%dma_start3A_52 : memref<40x128xf32, #tpu.memory_space<hbm>>) target(%dma_start3A_50 : memref<40x128xf32, #tpu.memory_space<vmem>>) target_semaphore(%arg16 : memref<!tpu.dma_semaphore, #tpu.memory_space<semaphore_mem>>)
    %dma_start3A_53 = arith.constant 1 : i32
    %dma_start3A_54 = arith.constant 1 : i32
    %dma_start3A_55 = arith.constant 0 : i32
    %dma_start3A_56 = arith.constant 0 : i32
    %dma_start3A_57 = tpu.memref_slice %arg10[%dma_start3A_54, %dma_start3A_55, %dma_start3A_56] : memref<2x40x128xf32, #tpu.memory_space<vmem>> -> memref<1x40x128xf32, #tpu.memory_space<vmem>>
    %dma_start3A_58 = tpu.memref_squeeze %dma_start3A_57 : memref<1x40x128xf32, #tpu.memory_space<vmem>> -> memref<40x128xf32, #tpu.memory_space<vmem>>
    %dma_start3A_59 = arith.constant 0 : i32
    %dma_start3A_60 = tpu.memref_slice %arg8[%dma_start3A_53, %dma_start3A_59] : memref<2x40xi32, #tpu.memory_space<vmem>> -> memref<1x40xi32, #tpu.memory_space<vmem>>
    %dma_start3A_61 = tpu.memref_squeeze %dma_start3A_60 : memref<1x40xi32, #tpu.memory_space<vmem>> -> memref<40xi32, #tpu.memory_space<vmem>>
    %dma_start3A_62 = arith.constant 0 : i32
    %dma_start3A_63 = arith.constant 0 : i32
    %dma_start3A_64 = tpu.memref_slice %arg2[%dma_start3A_62, %dma_start3A_63] : memref<10000x128xf32, #tpu.memory_space<hbm>> -> memref<10000x128xf32, #tpu.memory_space<hbm>>
    tpu.enqueue_indirect_dma source(%dma_start3A_64 : memref<10000x128xf32, #tpu.memory_space<hbm>>) target(%dma_start3A_58 : memref<40x128xf32, #tpu.memory_space<vmem>>) offsets(%dma_start3A_61 : memref<40xi32, #tpu.memory_space<vmem>>) semaphore(%arg14 : memref<!tpu.dma_semaphore, #tpu.memory_space<semaphore_mem>>)
    %scan3A = arith.constant 0 : i32
    %scan3A_65 = arith.constant 0 : i32
    %scan3A_66 = arith.constant 125 : i32
    %scan3A_67 = arith.addi %scan3A_65, %scan3A_66 : i32
    %scan3A_68 = arith.constant 1 : i32
    scf.for %scan3A_75 = %scan3A_65 to %scan3A_67 step %scan3A_68  : i32 {
      %mul3A_76 = arith.constant 2 : i32
      %mul3A_77 = arith.muli %mul3A_76, %scan3A_75 : i32
      %dma_wait3A = arith.constant 0 : i32
      %dma_wait3A_78 = arith.constant 0 : i32
      %dma_wait3A_79 = arith.constant 0 : i32
      %dma_wait3A_80 = tpu.memref_slice %arg11[%dma_wait3A, %dma_wait3A_78, %dma_wait3A_79] : memref<2x40x128xf32, #tpu.memory_space<vmem>> -> memref<1x40x128xf32, #tpu.memory_space<vmem>>
      %dma_wait3A_81 = tpu.memref_squeeze %dma_wait3A_80 : memref<1x40x128xf32, #tpu.memory_space<vmem>> -> memref<40x128xf32, #tpu.memory_space<vmem>>
      %dma_wait3A_82 = arith.constant 0 : i32
      %dma_wait3A_83 = arith.constant 0 : i32
      %dma_wait3A_84 = tpu.memref_slice %arg5[%dma_wait3A_82, %dma_wait3A_83] : memref<320000x128xf32, #tpu.memory_space<hbm>> -> memref<40x128xf32, #tpu.memory_space<hbm>>
      %dma_wait3A_85 = arith.constant 0 : i32
      %dma_wait3A_86 = arith.constant 0 : i32
      %dma_wait3A_87 = tpu.memref_slice %arg11[%dma_wait3A, %dma_wait3A_85, %dma_wait3A_86] : memref<2x40x128xf32, #tpu.memory_space<vmem>> -> memref<1x40x128xf32, #tpu.memory_space<vmem>>
      %dma_wait3A_88 = tpu.memref_squeeze %dma_wait3A_87 : memref<1x40x128xf32, #tpu.memory_space<vmem>> -> memref<40x128xf32, #tpu.memory_space<vmem>>
      %dma_wait3A_89 = arith.constant 0 : i32
      %dma_wait3A_90 = arith.constant 0 : i32
      %dma_wait3A_91 = tpu.memref_slice %arg5[%dma_wait3A_89, %dma_wait3A_90] : memref<320000x128xf32, #tpu.memory_space<hbm>> -> memref<40x128xf32, #tpu.memory_space<hbm>>
      tpu.wait_dma2 semaphore(%arg15 : memref<!tpu.dma_semaphore, #tpu.memory_space<semaphore_mem>>) src(%dma_wait3A_91 : memref<40x128xf32, #tpu.memory_space<hbm>>) dst(%dma_wait3A_88 : memref<40x128xf32, #tpu.memory_space<vmem>>)
      %dma_wait3A_92 = arith.constant 0 : i32
      %dma_wait3A_93 = arith.constant 0 : i32
      %dma_wait3A_94 = arith.constant 0 : i32
      %dma_wait3A_95 = arith.constant 0 : i32
      %dma_wait3A_96 = tpu.memref_slice %arg10[%dma_wait3A_93, %dma_wait3A_94, %dma_wait3A_95] : memref<2x40x128xf32, #tpu.memory_space<vmem>> -> memref<1x40x128xf32, #tpu.memory_space<vmem>>
      %dma_wait3A_97 = tpu.memref_squeeze %dma_wait3A_96 : memref<1x40x128xf32, #tpu.memory_space<vmem>> -> memref<40x128xf32, #tpu.memory_space<vmem>>
      %dma_wait3A_98 = arith.constant 0 : i32
      %dma_wait3A_99 = tpu.memref_slice %arg8[%dma_wait3A_92, %dma_wait3A_98] : memref<2x40xi32, #tpu.memory_space<vmem>> -> memref<1x40xi32, #tpu.memory_space<vmem>>
      %dma_wait3A_100 = tpu.memref_squeeze %dma_wait3A_99 : memref<1x40xi32, #tpu.memory_space<vmem>> -> memref<40xi32, #tpu.memory_space<vmem>>
      %dma_wait3A_101 = arith.constant 0 : i32
      %dma_wait3A_102 = arith.constant 0 : i32
      %dma_wait3A_103 = tpu.memref_slice %arg2[%dma_wait3A_101, %dma_wait3A_102] : memref<10000x128xf32, #tpu.memory_space<hbm>> -> memref<10000x128xf32, #tpu.memory_space<hbm>>
      tpu.wait_indirect_dma semaphore(%arg13 : memref<!tpu.dma_semaphore, #tpu.memory_space<semaphore_mem>>) src(%dma_wait3A_103 : memref<10000x128xf32, #tpu.memory_space<hbm>>) dst(%dma_wait3A_97 : memref<40x128xf32, #tpu.memory_space<vmem>>)
      %scan3A_104 = arith.constant 0 : i32
      %scan3A_105 = arith.constant 0 : i32
      %scan3A_106 = arith.constant 40 : i32
      %scan3A_107 = arith.addi %scan3A_105, %scan3A_106 : i32
      %scan3A_108 = arith.constant 1 : i32
      scf.for %scan3A_162 = %scan3A_105 to %scan3A_107 step %scan3A_108  : i32 {
        %get3A = arith.constant 0 : i32
        %get3A_163 = arith.index_cast %get3A : i32 to index
        %get3A_164 = arith.index_cast %scan3A_162 : i32 to index
        %get3A_165 = arith.constant 0 : index
        %get3A_166 = tpu.vector_load %arg10[%get3A_163, %get3A_164, %get3A_165] {strides = array<i32>} : memref<2x40x128xf32, #tpu.memory_space<vmem>>, vector<1x1x16xf32>,
        %get3A_167 = vector.shape_cast %get3A_166 : vector<1x1x16xf32> to vector<16xf32>
        %get3A_168 = arith.constant 0 : i32
        %get3A_169 = arith.index_cast %get3A_168 : i32 to index
        %get3A_170 = arith.index_cast %scan3A_162 : i32 to index
        %get3A_171 = arith.constant 0 : index
        %get3A_172 = tpu.vector_load %arg11[%get3A_169, %get3A_170, %get3A_171] {strides = array<i32>} : memref<2x40x128xf32, #tpu.memory_space<vmem>>, vector<1x1x16xf32>,
        %get3A_173 = vector.shape_cast %get3A_172 : vector<1x1x16xf32> to vector<16xf32>
        %add3A_174 = arith.addf %get3A_167, %get3A_173 : vector<16xf32>
        %max3A = arith.constant 0.000000e+00 : f32
        %max3A_175 = vector.broadcast %max3A : f32 to vector<16xf32>
        %max3A_176 = arith.maximumf %add3A_174, %max3A_175 : vector<16xf32>
        %swap3A = arith.constant 0 : i32
        %swap3A_177 = arith.index_cast %swap3A : i32 to index
        %swap3A_178 = arith.index_cast %scan3A_162 : i32 to index
        %swap3A_179 = arith.constant 0 : index
        %swap3A_180 = tpu.vector_load %arg10[%swap3A_177, %swap3A_178, %swap3A_179] {strides = array<i32>} : memref<2x40x128xf32, #tpu.memory_space<vmem>>, vector<1x1x16xf32>,
        %swap3A_181 = vector.shape_cast %swap3A_180 : vector<1x1x16xf32> to vector<16xf32>
        %swap3A_182 = vector.shape_cast %max3A_176 : vector<16xf32> to vector<1x1x16xf32>
        tpu.vector_store %arg10[%swap3A_177, %swap3A_178, %swap3A_179], %swap3A_182 {strides = array<i32>} : memref<2x40x128xf32, #tpu.memory_space<vmem>>, vector<1x1x16xf32>,
        %get3A_183 = arith.constant 0 : i32
        %get3A_184 = arith.index_cast %get3A_183 : i32 to index
        %get3A_185 = arith.index_cast %scan3A_162 : i32 to index
        %get3A_186 = arith.constant 16 : index
        %get3A_187 = tpu.vector_load %arg10[%get3A_184, %get3A_185, %get3A_186] {strides = array<i32>} : memref<2x40x128xf32, #tpu.memory_space<vmem>>, vector<1x1x16xf32>,
        %get3A_188 = vector.shape_cast %get3A_187 : vector<1x1x16xf32> to vector<16xf32>
        %get3A_189 = arith.constant 0 : i32
        %get3A_190 = arith.index_cast %get3A_189 : i32 to index
        %get3A_191 = arith.index_cast %scan3A_162 : i32 to index
        %get3A_192 = arith.constant 16 : index
        %get3A_193 = tpu.vector_load %arg11[%get3A_190, %get3A_191, %get3A_192] {strides = array<i32>} : memref<2x40x128xf32, #tpu.memory_space<vmem>>, vector<1x1x16xf32>,
        %get3A_194 = vector.shape_cast %get3A_193 : vector<1x1x16xf32> to vector<16xf32>
        %add3A_195 = arith.addf %get3A_188, %get3A_194 : vector<16xf32>
        %max3A_196 = arith.constant 0.000000e+00 : f32
        %max3A_197 = vector.broadcast %max3A_196 : f32 to vector<16xf32>
        %max3A_198 = arith.maximumf %add3A_195, %max3A_197 : vector<16xf32>
        %swap3A_199 = arith.constant 0 : i32
        %swap3A_200 = arith.index_cast %swap3A_199 : i32 to index
        %swap3A_201 = arith.index_cast %scan3A_162 : i32 to index
        %swap3A_202 = arith.constant 16 : index
        %swap3A_203 = tpu.vector_load %arg10[%swap3A_200, %swap3A_201, %swap3A_202] {strides = array<i32>} : memref<2x40x128xf32, #tpu.memory_space<vmem>>, vector<1x1x16xf32>,
        %swap3A_204 = vector.shape_cast %swap3A_203 : vector<1x1x16xf32> to vector<16xf32>
        %swap3A_205 = vector.shape_cast %max3A_198 : vector<16xf32> to vector<1x1x16xf32>
        tpu.vector_store %arg10[%swap3A_200, %swap3A_201, %swap3A_202], %swap3A_205 {strides = array<i32>} : memref<2x40x128xf32, #tpu.memory_space<vmem>>, vector<1x1x16xf32>,
        %get3A_206 = arith.constant 0 : i32
        %get3A_207 = arith.index_cast %get3A_206 : i32 to index
        %get3A_208 = arith.index_cast %scan3A_162 : i32 to index
        %get3A_209 = arith.constant 32 : index
        %get3A_210 = tpu.vector_load %arg10[%get3A_207, %get3A_208, %get3A_209] {strides = array<i32>} : memref<2x40x128xf32, #tpu.memory_space<vmem>>, vector<1x1x16xf32>,
        %get3A_211 = vector.shape_cast %get3A_210 : vector<1x1x16xf32> to vector<16xf32>
        %get3A_212 = arith.constant 0 : i32
        %get3A_213 = arith.index_cast %get3A_212 : i32 to index
        %get3A_214 = arith.index_cast %scan3A_162 : i32 to index
        %get3A_215 = arith.constant 32 : index
        %get3A_216 = tpu.vector_load %arg11[%get3A_213, %get3A_214, %get3A_215] {strides = array<i32>} : memref<2x40x128xf32, #tpu.memory_space<vmem>>, vector<1x1x16xf32>,
        %get3A_217 = vector.shape_cast %get3A_216 : vector<1x1x16xf32> to vector<16xf32>
        %add3A_218 = arith.addf %get3A_211, %get3A_217 : vector<16xf32>
        %max3A_219 = arith.constant 0.000000e+00 : f32
        %max3A_220 = vector.broadcast %max3A_219 : f32 to vector<16xf32>
        %max3A_221 = arith.maximumf %add3A_218, %max3A_220 : vector<16xf32>
        %swap3A_222 = arith.constant 0 : i32
        %swap3A_223 = arith.index_cast %swap3A_222 : i32 to index
        %swap3A_224 = arith.index_cast %scan3A_162 : i32 to index
        %swap3A_225 = arith.constant 32 : index
        %swap3A_226 = tpu.vector_load %arg10[%swap3A_223, %swap3A_224, %swap3A_225] {strides = array<i32>} : memref<2x40x128xf32, #tpu.memory_space<vmem>>, vector<1x1x16xf32>,
        %swap3A_227 = vector.shape_cast %swap3A_226 : vector<1x1x16xf32> to vector<16xf32>
        %swap3A_228 = vector.shape_cast %max3A_221 : vector<16xf32> to vector<1x1x16xf32>
        tpu.vector_store %arg10[%swap3A_223, %swap3A_224, %swap3A_225], %swap3A_228 {strides = array<i32>} : memref<2x40x128xf32, #tpu.memory_space<vmem>>, vector<1x1x16xf32>,
        %get3A_229 = arith.constant 0 : i32
        %get3A_230 = arith.index_cast %get3A_229 : i32 to index
        %get3A_231 = arith.index_cast %scan3A_162 : i32 to index
        %get3A_232 = arith.constant 48 : index
        %get3A_233 = tpu.vector_load %arg10[%get3A_230, %get3A_231, %get3A_232] {strides = array<i32>} : memref<2x40x128xf32, #tpu.memory_space<vmem>>, vector<1x1x16xf32>,
        %get3A_234 = vector.shape_cast %get3A_233 : vector<1x1x16xf32> to vector<16xf32>
        %get3A_235 = arith.constant 0 : i32
        %get3A_236 = arith.index_cast %get3A_235 : i32 to index
        %get3A_237 = arith.index_cast %scan3A_162 : i32 to index
        %get3A_238 = arith.constant 48 : index
        %get3A_239 = tpu.vector_load %arg11[%get3A_236, %get3A_237, %get3A_238] {strides = array<i32>} : memref<2x40x128xf32, #tpu.memory_space<vmem>>, vector<1x1x16xf32>,
        %get3A_240 = vector.shape_cast %get3A_239 : vector<1x1x16xf32> to vector<16xf32>
        %add3A_241 = arith.addf %get3A_234, %get3A_240 : vector<16xf32>
        %max3A_242 = arith.constant 0.000000e+00 : f32
        %max3A_243 = vector.broadcast %max3A_242 : f32 to vector<16xf32>
        %max3A_244 = arith.maximumf %add3A_241, %max3A_243 : vector<16xf32>
        %swap3A_245 = arith.constant 0 : i32
        %swap3A_246 = arith.index_cast %swap3A_245 : i32 to index
        %swap3A_247 = arith.index_cast %scan3A_162 : i32 to index
        %swap3A_248 = arith.constant 48 : index
        %swap3A_249 = tpu.vector_load %arg10[%swap3A_246, %swap3A_247, %swap3A_248] {strides = array<i32>} : memref<2x40x128xf32, #tpu.memory_space<vmem>>, vector<1x1x16xf32>,
        %swap3A_250 = vector.shape_cast %swap3A_249 : vector<1x1x16xf32> to vector<16xf32>
        %swap3A_251 = vector.shape_cast %max3A_244 : vector<16xf32> to vector<1x1x16xf32>
        tpu.vector_store %arg10[%swap3A_246, %swap3A_247, %swap3A_248], %swap3A_251 {strides = array<i32>} : memref<2x40x128xf32, #tpu.memory_space<vmem>>, vector<1x1x16xf32>,
        %get3A_252 = arith.constant 0 : i32
        %get3A_253 = arith.index_cast %get3A_252 : i32 to index
        %get3A_254 = arith.index_cast %scan3A_162 : i32 to index
        %get3A_255 = arith.constant 64 : index
        %get3A_256 = tpu.vector_load %arg10[%get3A_253, %get3A_254, %get3A_255] {strides = array<i32>} : memref<2x40x128xf32, #tpu.memory_space<vmem>>, vector<1x1x16xf32>,
        %get3A_257 = vector.shape_cast %get3A_256 : vector<1x1x16xf32> to vector<16xf32>
        %get3A_258 = arith.constant 0 : i32
        %get3A_259 = arith.index_cast %get3A_258 : i32 to index
        %get3A_260 = arith.index_cast %scan3A_162 : i32 to index
        %get3A_261 = arith.constant 64 : index
        %get3A_262 = tpu.vector_load %arg11[%get3A_259, %get3A_260, %get3A_261] {strides = array<i32>} : memref<2x40x128xf32, #tpu.memory_space<vmem>>, vector<1x1x16xf32>,
        %get3A_263 = vector.shape_cast %get3A_262 : vector<1x1x16xf32> to vector<16xf32>
        %add3A_264 = arith.addf %get3A_257, %get3A_263 : vector<16xf32>
        %max3A_265 = arith.constant 0.000000e+00 : f32
        %max3A_266 = vector.broadcast %max3A_265 : f32 to vector<16xf32>
        %max3A_267 = arith.maximumf %add3A_264, %max3A_266 : vector<16xf32>
        %swap3A_268 = arith.constant 0 : i32
        %swap3A_269 = arith.index_cast %swap3A_268 : i32 to index
        %swap3A_270 = arith.index_cast %scan3A_162 : i32 to index
        %swap3A_271 = arith.constant 64 : index
        %swap3A_272 = tpu.vector_load %arg10[%swap3A_269, %swap3A_270, %swap3A_271] {strides = array<i32>} : memref<2x40x128xf32, #tpu.memory_space<vmem>>, vector<1x1x16xf32>,
        %swap3A_273 = vector.shape_cast %swap3A_272 : vector<1x1x16xf32> to vector<16xf32>
        %swap3A_274 = vector.shape_cast %max3A_267 : vector<16xf32> to vector<1x1x16xf32>
        tpu.vector_store %arg10[%swap3A_269, %swap3A_270, %swap3A_271], %swap3A_274 {strides = array<i32>} : memref<2x40x128xf32, #tpu.memory_space<vmem>>, vector<1x1x16xf32>,
        %get3A_275 = arith.constant 0 : i32
        %get3A_276 = arith.index_cast %get3A_275 : i32 to index
        %get3A_277 = arith.index_cast %scan3A_162 : i32 to index
        %get3A_278 = arith.constant 80 : index
        %get3A_279 = tpu.vector_load %arg10[%get3A_276, %get3A_277, %get3A_278] {strides = array<i32>} : memref<2x40x128xf32, #tpu.memory_space<vmem>>, vector<1x1x16xf32>,
        %get3A_280 = vector.shape_cast %get3A_279 : vector<1x1x16xf32> to vector<16xf32>
        %get3A_281 = arith.constant 0 : i32
        %get3A_282 = arith.index_cast %get3A_281 : i32 to index
        %get3A_283 = arith.index_cast %scan3A_162 : i32 to index
        %get3A_284 = arith.constant 80 : index
        %get3A_285 = tpu.vector_load %arg11[%get3A_282, %get3A_283, %get3A_284] {strides = array<i32>} : memref<2x40x128xf32, #tpu.memory_space<vmem>>, vector<1x1x16xf32>,
        %get3A_286 = vector.shape_cast %get3A_285 : vector<1x1x16xf32> to vector<16xf32>
        %add3A_287 = arith.addf %get3A_280, %get3A_286 : vector<16xf32>
        %max3A_288 = arith.constant 0.000000e+00 : f32
        %max3A_289 = vector.broadcast %max3A_288 : f32 to vector<16xf32>
        %max3A_290 = arith.maximumf %add3A_287, %max3A_289 : vector<16xf32>
        %swap3A_291 = arith.constant 0 : i32
        %swap3A_292 = arith.index_cast %swap3A_291 : i32 to index
        %swap3A_293 = arith.index_cast %scan3A_162 : i32 to index
        %swap3A_294 = arith.constant 80 : index
        %swap3A_295 = tpu.vector_load %arg10[%swap3A_292, %swap3A_293, %swap3A_294] {strides = array<i32>} : memref<2x40x128xf32, #tpu.memory_space<vmem>>, vector<1x1x16xf32>,
        %swap3A_296 = vector.shape_cast %swap3A_295 : vector<1x1x16xf32> to vector<16xf32>
        %swap3A_297 = vector.shape_cast %max3A_290 : vector<16xf32> to vector<1x1x16xf32>
        tpu.vector_store %arg10[%swap3A_292, %swap3A_293, %swap3A_294], %swap3A_297 {strides = array<i32>} : memref<2x40x128xf32, #tpu.memory_space<vmem>>, vector<1x1x16xf32>,
        %get3A_298 = arith.constant 0 : i32
        %get3A_299 = arith.index_cast %get3A_298 : i32 to index
        %get3A_300 = arith.index_cast %scan3A_162 : i32 to index
        %get3A_301 = arith.constant 96 : index
        %get3A_302 = tpu.vector_load %arg10[%get3A_299, %get3A_300, %get3A_301] {strides = array<i32>} : memref<2x40x128xf32, #tpu.memory_space<vmem>>, vector<1x1x16xf32>,
        %get3A_303 = vector.shape_cast %get3A_302 : vector<1x1x16xf32> to vector<16xf32>
        %get3A_304 = arith.constant 0 : i32
        %get3A_305 = arith.index_cast %get3A_304 : i32 to index
        %get3A_306 = arith.index_cast %scan3A_162 : i32 to index
        %get3A_307 = arith.constant 96 : index
        %get3A_308 = tpu.vector_load %arg11[%get3A_305, %get3A_306, %get3A_307] {strides = array<i32>} : memref<2x40x128xf32, #tpu.memory_space<vmem>>, vector<1x1x16xf32>,
        %get3A_309 = vector.shape_cast %get3A_308 : vector<1x1x16xf32> to vector<16xf32>
        %add3A_310 = arith.addf %get3A_303, %get3A_309 : vector<16xf32>
        %max3A_311 = arith.constant 0.000000e+00 : f32
        %max3A_312 = vector.broadcast %max3A_311 : f32 to vector<16xf32>
        %max3A_313 = arith.maximumf %add3A_310, %max3A_312 : vector<16xf32>
        %swap3A_314 = arith.constant 0 : i32
        %swap3A_315 = arith.index_cast %swap3A_314 : i32 to index
        %swap3A_316 = arith.index_cast %scan3A_162 : i32 to index
        %swap3A_317 = arith.constant 96 : index
        %swap3A_318 = tpu.vector_load %arg10[%swap3A_315, %swap3A_316, %swap3A_317] {strides = array<i32>} : memref<2x40x128xf32, #tpu.memory_space<vmem>>, vector<1x1x16xf32>,
        %swap3A_319 = vector.shape_cast %swap3A_318 : vector<1x1x16xf32> to vector<16xf32>
        %swap3A_320 = vector.shape_cast %max3A_313 : vector<16xf32> to vector<1x1x16xf32>
        tpu.vector_store %arg10[%swap3A_315, %swap3A_316, %swap3A_317], %swap3A_320 {strides = array<i32>} : memref<2x40x128xf32, #tpu.memory_space<vmem>>, vector<1x1x16xf32>,
        %get3A_321 = arith.constant 0 : i32
        %get3A_322 = arith.index_cast %get3A_321 : i32 to index
        %get3A_323 = arith.index_cast %scan3A_162 : i32 to index
        %get3A_324 = arith.constant 112 : index
        %get3A_325 = tpu.vector_load %arg10[%get3A_322, %get3A_323, %get3A_324] {strides = array<i32>} : memref<2x40x128xf32, #tpu.memory_space<vmem>>, vector<1x1x16xf32>,
        %get3A_326 = vector.shape_cast %get3A_325 : vector<1x1x16xf32> to vector<16xf32>
        %get3A_327 = arith.constant 0 : i32
        %get3A_328 = arith.index_cast %get3A_327 : i32 to index
        %get3A_329 = arith.index_cast %scan3A_162 : i32 to index
        %get3A_330 = arith.constant 112 : index
        %get3A_331 = tpu.vector_load %arg11[%get3A_328, %get3A_329, %get3A_330] {strides = array<i32>} : memref<2x40x128xf32, #tpu.memory_space<vmem>>, vector<1x1x16xf32>,
        %get3A_332 = vector.shape_cast %get3A_331 : vector<1x1x16xf32> to vector<16xf32>
        %add3A_333 = arith.addf %get3A_326, %get3A_332 : vector<16xf32>
        %max3A_334 = arith.constant 0.000000e+00 : f32
        %max3A_335 = vector.broadcast %max3A_334 : f32 to vector<16xf32>
        %max3A_336 = arith.maximumf %add3A_333, %max3A_335 : vector<16xf32>
        %swap3A_337 = arith.constant 0 : i32
        %swap3A_338 = arith.index_cast %swap3A_337 : i32 to index
        %swap3A_339 = arith.index_cast %scan3A_162 : i32 to index
        %swap3A_340 = arith.constant 112 : index
        %swap3A_341 = tpu.vector_load %arg10[%swap3A_338, %swap3A_339, %swap3A_340] {strides = array<i32>} : memref<2x40x128xf32, #tpu.memory_space<vmem>>, vector<1x1x16xf32>,
        %swap3A_342 = vector.shape_cast %swap3A_341 : vector<1x1x16xf32> to vector<16xf32>
        %swap3A_343 = vector.shape_cast %max3A_336 : vector<16xf32> to vector<1x1x16xf32>
        tpu.vector_store %arg10[%swap3A_338, %swap3A_339, %swap3A_340], %swap3A_343 {strides = array<i32>} : memref<2x40x128xf32, #tpu.memory_space<vmem>>, vector<1x1x16xf32>,
      }
      %scan3A_109 = arith.constant 40 : i32
      %run_scoped3A_110 = arith.constant 0 : i32
      %run_scoped3A_111 = arith.constant 0 : i32
      "tpu.region"() ({
        %run_scoped3A_162 = tpu.sem_alloc : memref<!tpu.dma_semaphore, #tpu.memory_space<semaphore_mem>>
        %dma_start3A_163 = arith.constant 0 : i32
        %dma_start3A_164 = arith.constant 0 : i32
        %dma_start3A_165 = tpu.memref_slice %arg10[%run_scoped3A_110, %dma_start3A_163, %dma_start3A_164] : memref<2x40x128xf32, #tpu.memory_space<vmem>> -> memref<1x40x128xf32, #tpu.memory_space<vmem>>
        %dma_start3A_166 = tpu.memref_squeeze %dma_start3A_165 : memref<1x40x128xf32, #tpu.memory_space<vmem>> -> memref<40x128xf32, #tpu.memory_space<vmem>>
        %dma_start3A_167 = arith.constant 0 : i32
        %dma_start3A_168 = tpu.memref_slice %arg9[%run_scoped3A_111, %dma_start3A_167] : memref<2x40xi32, #tpu.memory_space<vmem>> -> memref<1x40xi32, #tpu.memory_space<vmem>>
        %dma_start3A_169 = tpu.memref_squeeze %dma_start3A_168 : memref<1x40xi32, #tpu.memory_space<vmem>> -> memref<40xi32, #tpu.memory_space<vmem>>
        %dma_start3A_170 = arith.constant 0 : i32
        %dma_start3A_171 = arith.constant 0 : i32
        %dma_start3A_172 = tpu.memref_slice %arg12[%dma_start3A_170, %dma_start3A_171] : memref<10240x128xf32, #tpu.memory_space<vmem_shared>> -> memref<10240x128xf32, #tpu.memory_space<vmem_shared>>
        tpu.enqueue_indirect_dma source(%dma_start3A_166 : memref<40x128xf32, #tpu.memory_space<vmem>>) target(%dma_start3A_172 : memref<10240x128xf32, #tpu.memory_space<vmem_shared>>) offsets(%dma_start3A_169 : memref<40xi32, #tpu.memory_space<vmem>>) semaphore(%run_scoped3A_162 : memref<!tpu.dma_semaphore, #tpu.memory_space<semaphore_mem>>) {add = true}
        %dma_wait3A_173 = arith.constant 0 : i32
        %dma_wait3A_174 = arith.constant 0 : i32
        %dma_wait3A_175 = tpu.memref_slice %arg10[%run_scoped3A_110, %dma_wait3A_173, %dma_wait3A_174] : memref<2x40x128xf32, #tpu.memory_space<vmem>> -> memref<1x40x128xf32, #tpu.memory_space<vmem>>
        %dma_wait3A_176 = tpu.memref_squeeze %dma_wait3A_175 : memref<1x40x128xf32, #tpu.memory_space<vmem>> -> memref<40x128xf32, #tpu.memory_space<vmem>>
        %dma_wait3A_177 = arith.constant 0 : i32
        %dma_wait3A_178 = tpu.memref_slice %arg9[%run_scoped3A_111, %dma_wait3A_177] : memref<2x40xi32, #tpu.memory_space<vmem>> -> memref<1x40xi32, #tpu.memory_space<vmem>>
        %dma_wait3A_179 = tpu.memref_squeeze %dma_wait3A_178 : memref<1x40xi32, #tpu.memory_space<vmem>> -> memref<40xi32, #tpu.memory_space<vmem>>
        %dma_wait3A_180 = arith.constant 0 : i32
        %dma_wait3A_181 = arith.constant 0 : i32
        %dma_wait3A_182 = tpu.memref_slice %arg12[%dma_wait3A_180, %dma_wait3A_181] : memref<10240x128xf32, #tpu.memory_space<vmem_shared>> -> memref<10240x128xf32, #tpu.memory_space<vmem_shared>>
        tpu.wait_indirect_dma semaphore(%run_scoped3A_162 : memref<!tpu.dma_semaphore, #tpu.memory_space<semaphore_mem>>) src(%dma_wait3A_176 : memref<40x128xf32, #tpu.memory_space<vmem>>) dst(%dma_wait3A_182 : memref<10240x128xf32, #tpu.memory_space<vmem_shared>>)
        tpu.yield
      }) : () -> ()
      %add3A_112 = arith.constant 2 : i32
      %add3A_113 = arith.addi %mul3A_77, %add3A_112 : i32
      %lt3A = arith.constant 250 : i32
      %lt3A_114 = arith.cmpi slt, %add3A_113, %lt3A : i32
      %convert_element_type3A = arith.extui %lt3A_114 : i1 to i32
      %cond3A = arith.constant 0 : i32
      %cond3A_115 = arith.cmpi ne, %convert_element_type3A, %cond3A : i32
      scf.if %cond3A_115 {
        %add3A_162 = arith.constant 2 : i32
        %add3A_163 = arith.addi %mul3A_77, %add3A_162 : i32
        %run_scoped3A_164 = arith.constant 0 : i32
        "tpu.region"() ({
          %run_scoped3A_194 = tpu.sem_alloc : memref<!tpu.dma_semaphore, #tpu.memory_space<semaphore_mem>>
          %dma_start3A_195 = arith.constant 0 : i32
          %dma_start3A_196 = tpu.memref_slice %arg8[%run_scoped3A_164, %dma_start3A_195] : memref<2x40xi32, #tpu.memory_space<vmem>> -> memref<1x40xi32, #tpu.memory_space<vmem>>
          %dma_start3A_197 = tpu.memref_squeeze %dma_start3A_196 : memref<1x40xi32, #tpu.memory_space<vmem>> -> memref<40xi32, #tpu.memory_space<vmem>>
          %dma_start3A_198 = arith.constant 0 : i32
          %dma_start3A_199 = tpu.memref_slice %arg3[%add3A, %add3A_163, %dma_start3A_198] : memref<32x250x40xi32, #tpu.memory_space<hbm>> -> memref<1x1x40xi32, #tpu.memory_space<hbm>>
          %dma_start3A_200 = tpu.memref_squeeze %dma_start3A_199 : memref<1x1x40xi32, #tpu.memory_space<hbm>> -> memref<40xi32, #tpu.memory_space<hbm>>
          %dma_start3A_201 = arith.constant 0 : i32
          %dma_start3A_202 = tpu.memref_slice %arg8[%run_scoped3A_164, %dma_start3A_201] : memref<2x40xi32, #tpu.memory_space<vmem>> -> memref<1x40xi32, #tpu.memory_space<vmem>>
          %dma_start3A_203 = tpu.memref_squeeze %dma_start3A_202 : memref<1x40xi32, #tpu.memory_space<vmem>> -> memref<40xi32, #tpu.memory_space<vmem>>
          %dma_start3A_204 = arith.constant 0 : i32
          %dma_start3A_205 = tpu.memref_slice %arg3[%add3A, %add3A_163, %dma_start3A_204] : memref<32x250x40xi32, #tpu.memory_space<hbm>> -> memref<1x1x40xi32, #tpu.memory_space<hbm>>
          %dma_start3A_206 = tpu.memref_squeeze %dma_start3A_205 : memref<1x1x40xi32, #tpu.memory_space<hbm>> -> memref<40xi32, #tpu.memory_space<hbm>>
          tpu.enqueue_dma source(%dma_start3A_206 : memref<40xi32, #tpu.memory_space<hbm>>) target(%dma_start3A_203 : memref<40xi32, #tpu.memory_space<vmem>>) target_semaphore(%run_scoped3A_194 : memref<!tpu.dma_semaphore, #tpu.memory_space<semaphore_mem>>)
          %dma_wait3A_207 = arith.constant 0 : i32
          %dma_wait3A_208 = tpu.memref_slice %arg8[%run_scoped3A_164, %dma_wait3A_207] : memref<2x40xi32, #tpu.memory_space<vmem>> -> memref<1x40xi32, #tpu.memory_space<vmem>>
          %dma_wait3A_209 = tpu.memref_squeeze %dma_wait3A_208 : memref<1x40xi32, #tpu.memory_space<vmem>> -> memref<40xi32, #tpu.memory_space<vmem>>
          %dma_wait3A_210 = arith.constant 0 : i32
          %dma_wait3A_211 = tpu.memref_slice %arg3[%add3A, %add3A_163, %dma_wait3A_210] : memref<32x250x40xi32, #tpu.memory_space<hbm>> -> memref<1x1x40xi32, #tpu.memory_space<hbm>>
          %dma_wait3A_212 = tpu.memref_squeeze %dma_wait3A_211 : memref<1x1x40xi32, #tpu.memory_space<hbm>> -> memref<40xi32, #tpu.memory_space<hbm>>
          %dma_wait3A_213 = arith.constant 0 : i32
          %dma_wait3A_214 = tpu.memref_slice %arg8[%run_scoped3A_164, %dma_wait3A_213] : memref<2x40xi32, #tpu.memory_space<vmem>> -> memref<1x40xi32, #tpu.memory_space<vmem>>
          %dma_wait3A_215 = tpu.memref_squeeze %dma_wait3A_214 : memref<1x40xi32, #tpu.memory_space<vmem>> -> memref<40xi32, #tpu.memory_space<vmem>>
          %dma_wait3A_216 = arith.constant 0 : i32
          %dma_wait3A_217 = tpu.memref_slice %arg3[%add3A, %add3A_163, %dma_wait3A_216] : memref<32x250x40xi32, #tpu.memory_space<hbm>> -> memref<1x1x40xi32, #tpu.memory_space<hbm>>
          %dma_wait3A_218 = tpu.memref_squeeze %dma_wait3A_217 : memref<1x1x40xi32, #tpu.memory_space<hbm>> -> memref<40xi32, #tpu.memory_space<hbm>>
          tpu.wait_dma2 semaphore(%run_scoped3A_194 : memref<!tpu.dma_semaphore, #tpu.memory_space<semaphore_mem>>) src(%dma_wait3A_218 : memref<40xi32, #tpu.memory_space<hbm>>) dst(%dma_wait3A_215 : memref<40xi32, #tpu.memory_space<vmem>>)
          tpu.yield
        }) : () -> ()
        %run_scoped3A_165 = arith.constant 0 : i32
        "tpu.region"() ({
          %run_scoped3A_194 = tpu.sem_alloc : memref<!tpu.dma_semaphore, #tpu.memory_space<semaphore_mem>>
          %dma_start3A_195 = arith.constant 0 : i32
          %dma_start3A_196 = tpu.memref_slice %arg9[%run_scoped3A_165, %dma_start3A_195] : memref<2x40xi32, #tpu.memory_space<vmem>> -> memref<1x40xi32, #tpu.memory_space<vmem>>
          %dma_start3A_197 = tpu.memref_squeeze %dma_start3A_196 : memref<1x40xi32, #tpu.memory_space<vmem>> -> memref<40xi32, #tpu.memory_space<vmem>>
          %dma_start3A_198 = arith.constant 0 : i32
          %dma_start3A_199 = tpu.memref_slice %arg4[%add3A, %add3A_163, %dma_start3A_198] : memref<32x250x40xi32, #tpu.memory_space<hbm>> -> memref<1x1x40xi32, #tpu.memory_space<hbm>>
          %dma_start3A_200 = tpu.memref_squeeze %dma_start3A_199 : memref<1x1x40xi32, #tpu.memory_space<hbm>> -> memref<40xi32, #tpu.memory_space<hbm>>
          %dma_start3A_201 = arith.constant 0 : i32
          %dma_start3A_202 = tpu.memref_slice %arg9[%run_scoped3A_165, %dma_start3A_201] : memref<2x40xi32, #tpu.memory_space<vmem>> -> memref<1x40xi32, #tpu.memory_space<vmem>>
          %dma_start3A_203 = tpu.memref_squeeze %dma_start3A_202 : memref<1x40xi32, #tpu.memory_space<vmem>> -> memref<40xi32, #tpu.memory_space<vmem>>
          %dma_start3A_204 = arith.constant 0 : i32
          %dma_start3A_205 = tpu.memref_slice %arg4[%add3A, %add3A_163, %dma_start3A_204] : memref<32x250x40xi32, #tpu.memory_space<hbm>> -> memref<1x1x40xi32, #tpu.memory_space<hbm>>
          %dma_start3A_206 = tpu.memref_squeeze %dma_start3A_205 : memref<1x1x40xi32, #tpu.memory_space<hbm>> -> memref<40xi32, #tpu.memory_space<hbm>>
          tpu.enqueue_dma source(%dma_start3A_206 : memref<40xi32, #tpu.memory_space<hbm>>) target(%dma_start3A_203 : memref<40xi32, #tpu.memory_space<vmem>>) target_semaphore(%run_scoped3A_194 : memref<!tpu.dma_semaphore, #tpu.memory_space<semaphore_mem>>)
          %dma_wait3A_207 = arith.constant 0 : i32
          %dma_wait3A_208 = tpu.memref_slice %arg9[%run_scoped3A_165, %dma_wait3A_207] : memref<2x40xi32, #tpu.memory_space<vmem>> -> memref<1x40xi32, #tpu.memory_space<vmem>>
          %dma_wait3A_209 = tpu.memref_squeeze %dma_wait3A_208 : memref<1x40xi32, #tpu.memory_space<vmem>> -> memref<40xi32, #tpu.memory_space<vmem>>
          %dma_wait3A_210 = arith.constant 0 : i32
          %dma_wait3A_211 = tpu.memref_slice %arg4[%add3A, %add3A_163, %dma_wait3A_210] : memref<32x250x40xi32, #tpu.memory_space<hbm>> -> memref<1x1x40xi32, #tpu.memory_space<hbm>>
          %dma_wait3A_212 = tpu.memref_squeeze %dma_wait3A_211 : memref<1x1x40xi32, #tpu.memory_space<hbm>> -> memref<40xi32, #tpu.memory_space<hbm>>
          %dma_wait3A_213 = arith.constant 0 : i32
          %dma_wait3A_214 = tpu.memref_slice %arg9[%run_scoped3A_165, %dma_wait3A_213] : memref<2x40xi32, #tpu.memory_space<vmem>> -> memref<1x40xi32, #tpu.memory_space<vmem>>
          %dma_wait3A_215 = tpu.memref_squeeze %dma_wait3A_214 : memref<1x40xi32, #tpu.memory_space<vmem>> -> memref<40xi32, #tpu.memory_space<vmem>>
          %dma_wait3A_216 = arith.constant 0 : i32
          %dma_wait3A_217 = tpu.memref_slice %arg4[%add3A, %add3A_163, %dma_wait3A_216] : memref<32x250x40xi32, #tpu.memory_space<hbm>> -> memref<1x1x40xi32, #tpu.memory_space<hbm>>
          %dma_wait3A_218 = tpu.memref_squeeze %dma_wait3A_217 : memref<1x1x40xi32, #tpu.memory_space<hbm>> -> memref<40xi32, #tpu.memory_space<hbm>>
          tpu.wait_dma2 semaphore(%run_scoped3A_194 : memref<!tpu.dma_semaphore, #tpu.memory_space<semaphore_mem>>) src(%dma_wait3A_218 : memref<40xi32, #tpu.memory_space<hbm>>) dst(%dma_wait3A_215 : memref<40xi32, #tpu.memory_space<vmem>>)
          tpu.yield
        }) : () -> ()
        %mul3A_166 = arith.constant 40 : i32
        %mul3A_167 = arith.muli %add3A_163, %mul3A_166 : i32
        %add3A_168 = arith.addi %mul3A_4, %mul3A_167 : i32
        %dma_start3A_169 = arith.constant 0 : i32
        %dma_start3A_170 = arith.constant 0 : i32
        %dma_start3A_171 = arith.constant 0 : i32
        %dma_start3A_172 = tpu.memref_slice %arg11[%dma_start3A_169, %dma_start3A_170, %dma_start3A_171] : memref<2x40x128xf32, #tpu.memory_space<vmem>> -> memref<1x40x128xf32, #tpu.memory_space<vmem>>
        %dma_start3A_173 = tpu.memref_squeeze %dma_start3A_172 : memref<1x40x128xf32, #tpu.memory_space<vmem>> -> memref<40x128xf32, #tpu.memory_space<vmem>>
        %dma_start3A_174 = arith.constant 0 : i32
        %dma_start3A_175 = tpu.memref_slice %arg5[%add3A_168, %dma_start3A_174] : memref<320000x128xf32, #tpu.memory_space<hbm>> -> memref<40x128xf32, #tpu.memory_space<hbm>>
        %dma_start3A_176 = arith.constant 0 : i32
        %dma_start3A_177 = arith.constant 0 : i32
        %dma_start3A_178 = tpu.memref_slice %arg11[%dma_start3A_169, %dma_start3A_176, %dma_start3A_177] : memref<2x40x128xf32, #tpu.memory_space<vmem>> -> memref<1x40x128xf32, #tpu.memory_space<vmem>>
        %dma_start3A_179 = tpu.memref_squeeze %dma_start3A_178 : memref<1x40x128xf32, #tpu.memory_space<vmem>> -> memref<40x128xf32, #tpu.memory_space<vmem>>
        %dma_start3A_180 = arith.constant 0 : i32
        %dma_start3A_181 = tpu.memref_slice %arg5[%add3A_168, %dma_start3A_180] : memref<320000x128xf32, #tpu.memory_space<hbm>> -> memref<40x128xf32, #tpu.memory_space<hbm>>
        tpu.enqueue_dma source(%dma_start3A_181 : memref<40x128xf32, #tpu.memory_space<hbm>>) target(%dma_start3A_179 : memref<40x128xf32, #tpu.memory_space<vmem>>) target_semaphore(%arg15 : memref<!tpu.dma_semaphore, #tpu.memory_space<semaphore_mem>>)
        %dma_start3A_182 = arith.constant 0 : i32
        %dma_start3A_183 = arith.constant 0 : i32
        %dma_start3A_184 = arith.constant 0 : i32
        %dma_start3A_185 = arith.constant 0 : i32
        %dma_start3A_186 = tpu.memref_slice %arg10[%dma_start3A_183, %dma_start3A_184, %dma_start3A_185] : memref<2x40x128xf32, #tpu.memory_space<vmem>> -> memref<1x40x128xf32, #tpu.memory_space<vmem>>
        %dma_start3A_187 = tpu.memref_squeeze %dma_start3A_186 : memref<1x40x128xf32, #tpu.memory_space<vmem>> -> memref<40x128xf32, #tpu.memory_space<vmem>>
        %dma_start3A_188 = arith.constant 0 : i32
        %dma_start3A_189 = tpu.memref_slice %arg8[%dma_start3A_182, %dma_start3A_188] : memref<2x40xi32, #tpu.memory_space<vmem>> -> memref<1x40xi32, #tpu.memory_space<vmem>>
        %dma_start3A_190 = tpu.memref_squeeze %dma_start3A_189 : memref<1x40xi32, #tpu.memory_space<vmem>> -> memref<40xi32, #tpu.memory_space<vmem>>
        %dma_start3A_191 = arith.constant 0 : i32
        %dma_start3A_192 = arith.constant 0 : i32
        %dma_start3A_193 = tpu.memref_slice %arg2[%dma_start3A_191, %dma_start3A_192] : memref<10000x128xf32, #tpu.memory_space<hbm>> -> memref<10000x128xf32, #tpu.memory_space<hbm>>
        tpu.enqueue_indirect_dma source(%dma_start3A_193 : memref<10000x128xf32, #tpu.memory_space<hbm>>) target(%dma_start3A_187 : memref<40x128xf32, #tpu.memory_space<vmem>>) offsets(%dma_start3A_190 : memref<40xi32, #tpu.memory_space<vmem>>) semaphore(%arg13 : memref<!tpu.dma_semaphore, #tpu.memory_space<semaphore_mem>>)
      } else {
      }
      %mul3A_116 = arith.constant 2 : i32
      %mul3A_117 = arith.muli %mul3A_116, %scan3A_75 : i32
      %add3A_118 = arith.constant 1 : i32
      %add3A_119 = arith.addi %mul3A_117, %add3A_118 : i32
      %dma_wait3A_120 = arith.constant 1 : i32
      %dma_wait3A_121 = arith.constant 0 : i32
      %dma_wait3A_122 = arith.constant 0 : i32
      %dma_wait3A_123 = tpu.memref_slice %arg11[%dma_wait3A_120, %dma_wait3A_121, %dma_wait3A_122] : memref<2x40x128xf32, #tpu.memory_space<vmem>> -> memref<1x40x128xf32, #tpu.memory_space<vmem>>
      %dma_wait3A_124 = tpu.memref_squeeze %dma_wait3A_123 : memref<1x40x128xf32, #tpu.memory_space<vmem>> -> memref<40x128xf32, #tpu.memory_space<vmem>>
      %dma_wait3A_125 = arith.constant 0 : i32
      %dma_wait3A_126 = arith.constant 0 : i32
      %dma_wait3A_127 = tpu.memref_slice %arg5[%dma_wait3A_125, %dma_wait3A_126] : memref<320000x128xf32, #tpu.memory_space<hbm>> -> memref<40x128xf32, #tpu.memory_space<hbm>>
      %dma_wait3A_128 = arith.constant 0 : i32
      %dma_wait3A_129 = arith.constant 0 : i32
      %dma_wait3A_130 = tpu.memref_slice %arg11[%dma_wait3A_120, %dma_wait3A_128, %dma_wait3A_129] : memref<2x40x128xf32, #tpu.memory_space<vmem>> -> memref<1x40x128xf32, #tpu.memory_space<vmem>>
      %dma_wait3A_131 = tpu.memref_squeeze %dma_wait3A_130 : memref<1x40x128xf32, #tpu.memory_space<vmem>> -> memref<40x128xf32, #tpu.memory_space<vmem>>
      %dma_wait3A_132 = arith.constant 0 : i32
      %dma_wait3A_133 = arith.constant 0 : i32
      %dma_wait3A_134 = tpu.memref_slice %arg5[%dma_wait3A_132, %dma_wait3A_133] : memref<320000x128xf32, #tpu.memory_space<hbm>> -> memref<40x128xf32, #tpu.memory_space<hbm>>
      tpu.wait_dma2 semaphore(%arg16 : memref<!tpu.dma_semaphore, #tpu.memory_space<semaphore_mem>>) src(%dma_wait3A_134 : memref<40x128xf32, #tpu.memory_space<hbm>>) dst(%dma_wait3A_131 : memref<40x128xf32, #tpu.memory_space<vmem>>)
      %dma_wait3A_135 = arith.constant 1 : i32
      %dma_wait3A_136 = arith.constant 1 : i32
      %dma_wait3A_137 = arith.constant 0 : i32
      %dma_wait3A_138 = arith.constant 0 : i32
      %dma_wait3A_139 = tpu.memref_slice %arg10[%dma_wait3A_136, %dma_wait3A_137, %dma_wait3A_138] : memref<2x40x128xf32, #tpu.memory_space<vmem>> -> memref<1x40x128xf32, #tpu.memory_space<vmem>>
      %dma_wait3A_140 = tpu.memref_squeeze %dma_wait3A_139 : memref<1x40x128xf32, #tpu.memory_space<vmem>> -> memref<40x128xf32, #tpu.memory_space<vmem>>
      %dma_wait3A_141 = arith.constant 0 : i32
      %dma_wait3A_142 = tpu.memref_slice %arg8[%dma_wait3A_135, %dma_wait3A_141] : memref<2x40xi32, #tpu.memory_space<vmem>> -> memref<1x40xi32, #tpu.memory_space<vmem>>
      %dma_wait3A_143 = tpu.memref_squeeze %dma_wait3A_142 : memref<1x40xi32, #tpu.memory_space<vmem>> -> memref<40xi32, #tpu.memory_space<vmem>>
      %dma_wait3A_144 = arith.constant 0 : i32
      %dma_wait3A_145 = arith.constant 0 : i32
      %dma_wait3A_146 = tpu.memref_slice %arg2[%dma_wait3A_144, %dma_wait3A_145] : memref<10000x128xf32, #tpu.memory_space<hbm>> -> memref<10000x128xf32, #tpu.memory_space<hbm>>
      tpu.wait_indirect_dma semaphore(%arg14 : memref<!tpu.dma_semaphore, #tpu.memory_space<semaphore_mem>>) src(%dma_wait3A_146 : memref<10000x128xf32, #tpu.memory_space<hbm>>) dst(%dma_wait3A_140 : memref<40x128xf32, #tpu.memory_space<vmem>>)
      %scan3A_147 = arith.constant 0 : i32
      %scan3A_148 = arith.constant 0 : i32
      %scan3A_149 = arith.constant 40 : i32
      %scan3A_150 = arith.addi %scan3A_148, %scan3A_149 : i32
      %scan3A_151 = arith.constant 1 : i32
      scf.for %scan3A_162 = %scan3A_148 to %scan3A_150 step %scan3A_151  : i32 {
        %get3A = arith.constant 1 : i32
        %get3A_163 = arith.index_cast %get3A : i32 to index
        %get3A_164 = arith.index_cast %scan3A_162 : i32 to index
        %get3A_165 = arith.constant 0 : index
        %get3A_166 = tpu.vector_load %arg10[%get3A_163, %get3A_164, %get3A_165] {strides = array<i32>} : memref<2x40x128xf32, #tpu.memory_space<vmem>>, vector<1x1x16xf32>,
        %get3A_167 = vector.shape_cast %get3A_166 : vector<1x1x16xf32> to vector<16xf32>
        %get3A_168 = arith.constant 1 : i32
        %get3A_169 = arith.index_cast %get3A_168 : i32 to index
        %get3A_170 = arith.index_cast %scan3A_162 : i32 to index
        %get3A_171 = arith.constant 0 : index
        %get3A_172 = tpu.vector_load %arg11[%get3A_169, %get3A_170, %get3A_171] {strides = array<i32>} : memref<2x40x128xf32, #tpu.memory_space<vmem>>, vector<1x1x16xf32>,
        %get3A_173 = vector.shape_cast %get3A_172 : vector<1x1x16xf32> to vector<16xf32>
        %add3A_174 = arith.addf %get3A_167, %get3A_173 : vector<16xf32>
        %max3A = arith.constant 0.000000e+00 : f32
        %max3A_175 = vector.broadcast %max3A : f32 to vector<16xf32>
        %max3A_176 = arith.maximumf %add3A_174, %max3A_175 : vector<16xf32>
        %swap3A = arith.constant 1 : i32
        %swap3A_177 = arith.index_cast %swap3A : i32 to index
        %swap3A_178 = arith.index_cast %scan3A_162 : i32 to index
        %swap3A_179 = arith.constant 0 : index
        %swap3A_180 = tpu.vector_load %arg10[%swap3A_177, %swap3A_178, %swap3A_179] {strides = array<i32>} : memref<2x40x128xf32, #tpu.memory_space<vmem>>, vector<1x1x16xf32>,
        %swap3A_181 = vector.shape_cast %swap3A_180 : vector<1x1x16xf32> to vector<16xf32>
        %swap3A_182 = vector.shape_cast %max3A_176 : vector<16xf32> to vector<1x1x16xf32>
        tpu.vector_store %arg10[%swap3A_177, %swap3A_178, %swap3A_179], %swap3A_182 {strides = array<i32>} : memref<2x40x128xf32, #tpu.memory_space<vmem>>, vector<1x1x16xf32>,
        %get3A_183 = arith.constant 1 : i32
        %get3A_184 = arith.index_cast %get3A_183 : i32 to index
        %get3A_185 = arith.index_cast %scan3A_162 : i32 to index
        %get3A_186 = arith.constant 16 : index
        %get3A_187 = tpu.vector_load %arg10[%get3A_184, %get3A_185, %get3A_186] {strides = array<i32>} : memref<2x40x128xf32, #tpu.memory_space<vmem>>, vector<1x1x16xf32>,
        %get3A_188 = vector.shape_cast %get3A_187 : vector<1x1x16xf32> to vector<16xf32>
        %get3A_189 = arith.constant 1 : i32
        %get3A_190 = arith.index_cast %get3A_189 : i32 to index
        %get3A_191 = arith.index_cast %scan3A_162 : i32 to index
        %get3A_192 = arith.constant 16 : index
        %get3A_193 = tpu.vector_load %arg11[%get3A_190, %get3A_191, %get3A_192] {strides = array<i32>} : memref<2x40x128xf32, #tpu.memory_space<vmem>>, vector<1x1x16xf32>,
        %get3A_194 = vector.shape_cast %get3A_193 : vector<1x1x16xf32> to vector<16xf32>
        %add3A_195 = arith.addf %get3A_188, %get3A_194 : vector<16xf32>
        %max3A_196 = arith.constant 0.000000e+00 : f32
        %max3A_197 = vector.broadcast %max3A_196 : f32 to vector<16xf32>
        %max3A_198 = arith.maximumf %add3A_195, %max3A_197 : vector<16xf32>
        %swap3A_199 = arith.constant 1 : i32
        %swap3A_200 = arith.index_cast %swap3A_199 : i32 to index
        %swap3A_201 = arith.index_cast %scan3A_162 : i32 to index
        %swap3A_202 = arith.constant 16 : index
        %swap3A_203 = tpu.vector_load %arg10[%swap3A_200, %swap3A_201, %swap3A_202] {strides = array<i32>} : memref<2x40x128xf32, #tpu.memory_space<vmem>>, vector<1x1x16xf32>,
        %swap3A_204 = vector.shape_cast %swap3A_203 : vector<1x1x16xf32> to vector<16xf32>
        %swap3A_205 = vector.shape_cast %max3A_198 : vector<16xf32> to vector<1x1x16xf32>
        tpu.vector_store %arg10[%swap3A_200, %swap3A_201, %swap3A_202], %swap3A_205 {strides = array<i32>} : memref<2x40x128xf32, #tpu.memory_space<vmem>>, vector<1x1x16xf32>,
        %get3A_206 = arith.constant 1 : i32
        %get3A_207 = arith.index_cast %get3A_206 : i32 to index
        %get3A_208 = arith.index_cast %scan3A_162 : i32 to index
        %get3A_209 = arith.constant 32 : index
        %get3A_210 = tpu.vector_load %arg10[%get3A_207, %get3A_208, %get3A_209] {strides = array<i32>} : memref<2x40x128xf32, #tpu.memory_space<vmem>>, vector<1x1x16xf32>,
        %get3A_211 = vector.shape_cast %get3A_210 : vector<1x1x16xf32> to vector<16xf32>
        %get3A_212 = arith.constant 1 : i32
        %get3A_213 = arith.index_cast %get3A_212 : i32 to index
        %get3A_214 = arith.index_cast %scan3A_162 : i32 to index
        %get3A_215 = arith.constant 32 : index
        %get3A_216 = tpu.vector_load %arg11[%get3A_213, %get3A_214, %get3A_215] {strides = array<i32>} : memref<2x40x128xf32, #tpu.memory_space<vmem>>, vector<1x1x16xf32>,
        %get3A_217 = vector.shape_cast %get3A_216 : vector<1x1x16xf32> to vector<16xf32>
        %add3A_218 = arith.addf %get3A_211, %get3A_217 : vector<16xf32>
        %max3A_219 = arith.constant 0.000000e+00 : f32
        %max3A_220 = vector.broadcast %max3A_219 : f32 to vector<16xf32>
        %max3A_221 = arith.maximumf %add3A_218, %max3A_220 : vector<16xf32>
        %swap3A_222 = arith.constant 1 : i32
        %swap3A_223 = arith.index_cast %swap3A_222 : i32 to index
        %swap3A_224 = arith.index_cast %scan3A_162 : i32 to index
        %swap3A_225 = arith.constant 32 : index
        %swap3A_226 = tpu.vector_load %arg10[%swap3A_223, %swap3A_224, %swap3A_225] {strides = array<i32>} : memref<2x40x128xf32, #tpu.memory_space<vmem>>, vector<1x1x16xf32>,
        %swap3A_227 = vector.shape_cast %swap3A_226 : vector<1x1x16xf32> to vector<16xf32>
        %swap3A_228 = vector.shape_cast %max3A_221 : vector<16xf32> to vector<1x1x16xf32>
        tpu.vector_store %arg10[%swap3A_223, %swap3A_224, %swap3A_225], %swap3A_228 {strides = array<i32>} : memref<2x40x128xf32, #tpu.memory_space<vmem>>, vector<1x1x16xf32>,
        %get3A_229 = arith.constant 1 : i32
        %get3A_230 = arith.index_cast %get3A_229 : i32 to index
        %get3A_231 = arith.index_cast %scan3A_162 : i32 to index
        %get3A_232 = arith.constant 48 : index
        %get3A_233 = tpu.vector_load %arg10[%get3A_230, %get3A_231, %get3A_232] {strides = array<i32>} : memref<2x40x128xf32, #tpu.memory_space<vmem>>, vector<1x1x16xf32>,
        %get3A_234 = vector.shape_cast %get3A_233 : vector<1x1x16xf32> to vector<16xf32>
        %get3A_235 = arith.constant 1 : i32
        %get3A_236 = arith.index_cast %get3A_235 : i32 to index
        %get3A_237 = arith.index_cast %scan3A_162 : i32 to index
        %get3A_238 = arith.constant 48 : index
        %get3A_239 = tpu.vector_load %arg11[%get3A_236, %get3A_237, %get3A_238] {strides = array<i32>} : memref<2x40x128xf32, #tpu.memory_space<vmem>>, vector<1x1x16xf32>,
        %get3A_240 = vector.shape_cast %get3A_239 : vector<1x1x16xf32> to vector<16xf32>
        %add3A_241 = arith.addf %get3A_234, %get3A_240 : vector<16xf32>
        %max3A_242 = arith.constant 0.000000e+00 : f32
        %max3A_243 = vector.broadcast %max3A_242 : f32 to vector<16xf32>
        %max3A_244 = arith.maximumf %add3A_241, %max3A_243 : vector<16xf32>
        %swap3A_245 = arith.constant 1 : i32
        %swap3A_246 = arith.index_cast %swap3A_245 : i32 to index
        %swap3A_247 = arith.index_cast %scan3A_162 : i32 to index
        %swap3A_248 = arith.constant 48 : index
        %swap3A_249 = tpu.vector_load %arg10[%swap3A_246, %swap3A_247, %swap3A_248] {strides = array<i32>} : memref<2x40x128xf32, #tpu.memory_space<vmem>>, vector<1x1x16xf32>,
        %swap3A_250 = vector.shape_cast %swap3A_249 : vector<1x1x16xf32> to vector<16xf32>
        %swap3A_251 = vector.shape_cast %max3A_244 : vector<16xf32> to vector<1x1x16xf32>
        tpu.vector_store %arg10[%swap3A_246, %swap3A_247, %swap3A_248], %swap3A_251 {strides = array<i32>} : memref<2x40x128xf32, #tpu.memory_space<vmem>>, vector<1x1x16xf32>,
        %get3A_252 = arith.constant 1 : i32
        %get3A_253 = arith.index_cast %get3A_252 : i32 to index
        %get3A_254 = arith.index_cast %scan3A_162 : i32 to index
        %get3A_255 = arith.constant 64 : index
        %get3A_256 = tpu.vector_load %arg10[%get3A_253, %get3A_254, %get3A_255] {strides = array<i32>} : memref<2x40x128xf32, #tpu.memory_space<vmem>>, vector<1x1x16xf32>,
        %get3A_257 = vector.shape_cast %get3A_256 : vector<1x1x16xf32> to vector<16xf32>
        %get3A_258 = arith.constant 1 : i32
        %get3A_259 = arith.index_cast %get3A_258 : i32 to index
        %get3A_260 = arith.index_cast %scan3A_162 : i32 to index
        %get3A_261 = arith.constant 64 : index
        %get3A_262 = tpu.vector_load %arg11[%get3A_259, %get3A_260, %get3A_261] {strides = array<i32>} : memref<2x40x128xf32, #tpu.memory_space<vmem>>, vector<1x1x16xf32>,
        %get3A_263 = vector.shape_cast %get3A_262 : vector<1x1x16xf32> to vector<16xf32>
        %add3A_264 = arith.addf %get3A_257, %get3A_263 : vector<16xf32>
        %max3A_265 = arith.constant 0.000000e+00 : f32
        %max3A_266 = vector.broadcast %max3A_265 : f32 to vector<16xf32>
        %max3A_267 = arith.maximumf %add3A_264, %max3A_266 : vector<16xf32>
        %swap3A_268 = arith.constant 1 : i32
        %swap3A_269 = arith.index_cast %swap3A_268 : i32 to index
        %swap3A_270 = arith.index_cast %scan3A_162 : i32 to index
        %swap3A_271 = arith.constant 64 : index
        %swap3A_272 = tpu.vector_load %arg10[%swap3A_269, %swap3A_270, %swap3A_271] {strides = array<i32>} : memref<2x40x128xf32, #tpu.memory_space<vmem>>, vector<1x1x16xf32>,
        %swap3A_273 = vector.shape_cast %swap3A_272 : vector<1x1x16xf32> to vector<16xf32>
        %swap3A_274 = vector.shape_cast %max3A_267 : vector<16xf32> to vector<1x1x16xf32>
        tpu.vector_store %arg10[%swap3A_269, %swap3A_270, %swap3A_271], %swap3A_274 {strides = array<i32>} : memref<2x40x128xf32, #tpu.memory_space<vmem>>, vector<1x1x16xf32>,
        %get3A_275 = arith.constant 1 : i32
        %get3A_276 = arith.index_cast %get3A_275 : i32 to index
        %get3A_277 = arith.index_cast %scan3A_162 : i32 to index
        %get3A_278 = arith.constant 80 : index
        %get3A_279 = tpu.vector_load %arg10[%get3A_276, %get3A_277, %get3A_278] {strides = array<i32>} : memref<2x40x128xf32, #tpu.memory_space<vmem>>, vector<1x1x16xf32>,
        %get3A_280 = vector.shape_cast %get3A_279 : vector<1x1x16xf32> to vector<16xf32>
        %get3A_281 = arith.constant 1 : i32
        %get3A_282 = arith.index_cast %get3A_281 : i32 to index
        %get3A_283 = arith.index_cast %scan3A_162 : i32 to index
        %get3A_284 = arith.constant 80 : index
        %get3A_285 = tpu.vector_load %arg11[%get3A_282, %get3A_283, %get3A_284] {strides = array<i32>} : memref<2x40x128xf32, #tpu.memory_space<vmem>>, vector<1x1x16xf32>,
        %get3A_286 = vector.shape_cast %get3A_285 : vector<1x1x16xf32> to vector<16xf32>
        %add3A_287 = arith.addf %get3A_280, %get3A_286 : vector<16xf32>
        %max3A_288 = arith.constant 0.000000e+00 : f32
        %max3A_289 = vector.broadcast %max3A_288 : f32 to vector<16xf32>
        %max3A_290 = arith.maximumf %add3A_287, %max3A_289 : vector<16xf32>
        %swap3A_291 = arith.constant 1 : i32
        %swap3A_292 = arith.index_cast %swap3A_291 : i32 to index
        %swap3A_293 = arith.index_cast %scan3A_162 : i32 to index
        %swap3A_294 = arith.constant 80 : index
        %swap3A_295 = tpu.vector_load %arg10[%swap3A_292, %swap3A_293, %swap3A_294] {strides = array<i32>} : memref<2x40x128xf32, #tpu.memory_space<vmem>>, vector<1x1x16xf32>,
        %swap3A_296 = vector.shape_cast %swap3A_295 : vector<1x1x16xf32> to vector<16xf32>
        %swap3A_297 = vector.shape_cast %max3A_290 : vector<16xf32> to vector<1x1x16xf32>
        tpu.vector_store %arg10[%swap3A_292, %swap3A_293, %swap3A_294], %swap3A_297 {strides = array<i32>} : memref<2x40x128xf32, #tpu.memory_space<vmem>>, vector<1x1x16xf32>,
        %get3A_298 = arith.constant 1 : i32
        %get3A_299 = arith.index_cast %get3A_298 : i32 to index
        %get3A_300 = arith.index_cast %scan3A_162 : i32 to index
        %get3A_301 = arith.constant 96 : index
        %get3A_302 = tpu.vector_load %arg10[%get3A_299, %get3A_300, %get3A_301] {strides = array<i32>} : memref<2x40x128xf32, #tpu.memory_space<vmem>>, vector<1x1x16xf32>,
        %get3A_303 = vector.shape_cast %get3A_302 : vector<1x1x16xf32> to vector<16xf32>
        %get3A_304 = arith.constant 1 : i32
        %get3A_305 = arith.index_cast %get3A_304 : i32 to index
        %get3A_306 = arith.index_cast %scan3A_162 : i32 to index
        %get3A_307 = arith.constant 96 : index
        %get3A_308 = tpu.vector_load %arg11[%get3A_305, %get3A_306, %get3A_307] {strides = array<i32>} : memref<2x40x128xf32, #tpu.memory_space<vmem>>, vector<1x1x16xf32>,
        %get3A_309 = vector.shape_cast %get3A_308 : vector<1x1x16xf32> to vector<16xf32>
        %add3A_310 = arith.addf %get3A_303, %get3A_309 : vector<16xf32>
        %max3A_311 = arith.constant 0.000000e+00 : f32
        %max3A_312 = vector.broadcast %max3A_311 : f32 to vector<16xf32>
        %max3A_313 = arith.maximumf %add3A_310, %max3A_312 : vector<16xf32>
        %swap3A_314 = arith.constant 1 : i32
        %swap3A_315 = arith.index_cast %swap3A_314 : i32 to index
        %swap3A_316 = arith.index_cast %scan3A_162 : i32 to index
        %swap3A_317 = arith.constant 96 : index
        %swap3A_318 = tpu.vector_load %arg10[%swap3A_315, %swap3A_316, %swap3A_317] {strides = array<i32>} : memref<2x40x128xf32, #tpu.memory_space<vmem>>, vector<1x1x16xf32>,
        %swap3A_319 = vector.shape_cast %swap3A_318 : vector<1x1x16xf32> to vector<16xf32>
        %swap3A_320 = vector.shape_cast %max3A_313 : vector<16xf32> to vector<1x1x16xf32>
        tpu.vector_store %arg10[%swap3A_315, %swap3A_316, %swap3A_317], %swap3A_320 {strides = array<i32>} : memref<2x40x128xf32, #tpu.memory_space<vmem>>, vector<1x1x16xf32>,
        %get3A_321 = arith.constant 1 : i32
        %get3A_322 = arith.index_cast %get3A_321 : i32 to index
        %get3A_323 = arith.index_cast %scan3A_162 : i32 to index
        %get3A_324 = arith.constant 112 : index
        %get3A_325 = tpu.vector_load %arg10[%get3A_322, %get3A_323, %get3A_324] {strides = array<i32>} : memref<2x40x128xf32, #tpu.memory_space<vmem>>, vector<1x1x16xf32>,
        %get3A_326 = vector.shape_cast %get3A_325 : vector<1x1x16xf32> to vector<16xf32>
        %get3A_327 = arith.constant 1 : i32
        %get3A_328 = arith.index_cast %get3A_327 : i32 to index
        %get3A_329 = arith.index_cast %scan3A_162 : i32 to index
        %get3A_330 = arith.constant 112 : index
        %get3A_331 = tpu.vector_load %arg11[%get3A_328, %get3A_329, %get3A_330] {strides = array<i32>} : memref<2x40x128xf32, #tpu.memory_space<vmem>>, vector<1x1x16xf32>,
        %get3A_332 = vector.shape_cast %get3A_331 : vector<1x1x16xf32> to vector<16xf32>
        %add3A_333 = arith.addf %get3A_326, %get3A_332 : vector<16xf32>
        %max3A_334 = arith.constant 0.000000e+00 : f32
        %max3A_335 = vector.broadcast %max3A_334 : f32 to vector<16xf32>
        %max3A_336 = arith.maximumf %add3A_333, %max3A_335 : vector<16xf32>
        %swap3A_337 = arith.constant 1 : i32
        %swap3A_338 = arith.index_cast %swap3A_337 : i32 to index
        %swap3A_339 = arith.index_cast %scan3A_162 : i32 to index
        %swap3A_340 = arith.constant 112 : index
        %swap3A_341 = tpu.vector_load %arg10[%swap3A_338, %swap3A_339, %swap3A_340] {strides = array<i32>} : memref<2x40x128xf32, #tpu.memory_space<vmem>>, vector<1x1x16xf32>,
        %swap3A_342 = vector.shape_cast %swap3A_341 : vector<1x1x16xf32> to vector<16xf32>
        %swap3A_343 = vector.shape_cast %max3A_336 : vector<16xf32> to vector<1x1x16xf32>
        tpu.vector_store %arg10[%swap3A_338, %swap3A_339, %swap3A_340], %swap3A_343 {strides = array<i32>} : memref<2x40x128xf32, #tpu.memory_space<vmem>>, vector<1x1x16xf32>,
      }
      %scan3A_152 = arith.constant 40 : i32
      %run_scoped3A_153 = arith.constant 1 : i32
      %run_scoped3A_154 = arith.constant 1 : i32
      "tpu.region"() ({
        %run_scoped3A_162 = tpu.sem_alloc : memref<!tpu.dma_semaphore, #tpu.memory_space<semaphore_mem>>
        %dma_start3A_163 = arith.constant 0 : i32
        %dma_start3A_164 = arith.constant 0 : i32
        %dma_start3A_165 = tpu.memref_slice %arg10[%run_scoped3A_153, %dma_start3A_163, %dma_start3A_164] : memref<2x40x128xf32, #tpu.memory_space<vmem>> -> memref<1x40x128xf32, #tpu.memory_space<vmem>>
        %dma_start3A_166 = tpu.memref_squeeze %dma_start3A_165 : memref<1x40x128xf32, #tpu.memory_space<vmem>> -> memref<40x128xf32, #tpu.memory_space<vmem>>
        %dma_start3A_167 = arith.constant 0 : i32
        %dma_start3A_168 = tpu.memref_slice %arg9[%run_scoped3A_154, %dma_start3A_167] : memref<2x40xi32, #tpu.memory_space<vmem>> -> memref<1x40xi32, #tpu.memory_space<vmem>>
        %dma_start3A_169 = tpu.memref_squeeze %dma_start3A_168 : memref<1x40xi32, #tpu.memory_space<vmem>> -> memref<40xi32, #tpu.memory_space<vmem>>
        %dma_start3A_170 = arith.constant 0 : i32
        %dma_start3A_171 = arith.constant 0 : i32
        %dma_start3A_172 = tpu.memref_slice %arg12[%dma_start3A_170, %dma_start3A_171] : memref<10240x128xf32, #tpu.memory_space<vmem_shared>> -> memref<10240x128xf32, #tpu.memory_space<vmem_shared>>
        tpu.enqueue_indirect_dma source(%dma_start3A_166 : memref<40x128xf32, #tpu.memory_space<vmem>>) target(%dma_start3A_172 : memref<10240x128xf32, #tpu.memory_space<vmem_shared>>) offsets(%dma_start3A_169 : memref<40xi32, #tpu.memory_space<vmem>>) semaphore(%run_scoped3A_162 : memref<!tpu.dma_semaphore, #tpu.memory_space<semaphore_mem>>) {add = true}
        %dma_wait3A_173 = arith.constant 0 : i32
        %dma_wait3A_174 = arith.constant 0 : i32
        %dma_wait3A_175 = tpu.memref_slice %arg10[%run_scoped3A_153, %dma_wait3A_173, %dma_wait3A_174] : memref<2x40x128xf32, #tpu.memory_space<vmem>> -> memref<1x40x128xf32, #tpu.memory_space<vmem>>
        %dma_wait3A_176 = tpu.memref_squeeze %dma_wait3A_175 : memref<1x40x128xf32, #tpu.memory_space<vmem>> -> memref<40x128xf32, #tpu.memory_space<vmem>>
        %dma_wait3A_177 = arith.constant 0 : i32
        %dma_wait3A_178 = tpu.memref_slice %arg9[%run_scoped3A_154, %dma_wait3A_177] : memref<2x40xi32, #tpu.memory_space<vmem>> -> memref<1x40xi32, #tpu.memory_space<vmem>>
        %dma_wait3A_179 = tpu.memref_squeeze %dma_wait3A_178 : memref<1x40xi32, #tpu.memory_space<vmem>> -> memref<40xi32, #tpu.memory_space<vmem>>
        %dma_wait3A_180 = arith.constant 0 : i32
        %dma_wait3A_181 = arith.constant 0 : i32
        %dma_wait3A_182 = tpu.memref_slice %arg12[%dma_wait3A_180, %dma_wait3A_181] : memref<10240x128xf32, #tpu.memory_space<vmem_shared>> -> memref<10240x128xf32, #tpu.memory_space<vmem_shared>>
        tpu.wait_indirect_dma semaphore(%run_scoped3A_162 : memref<!tpu.dma_semaphore, #tpu.memory_space<semaphore_mem>>) src(%dma_wait3A_176 : memref<40x128xf32, #tpu.memory_space<vmem>>) dst(%dma_wait3A_182 : memref<10240x128xf32, #tpu.memory_space<vmem_shared>>)
        tpu.yield
      }) : () -> ()
      %add3A_155 = arith.constant 2 : i32
      %add3A_156 = arith.addi %add3A_119, %add3A_155 : i32
      %lt3A_157 = arith.constant 250 : i32
      %lt3A_158 = arith.cmpi slt, %add3A_156, %lt3A_157 : i32
      %convert_element_type3A_159 = arith.extui %lt3A_158 : i1 to i32
      %cond3A_160 = arith.constant 0 : i32
      %cond3A_161 = arith.cmpi ne, %convert_element_type3A_159, %cond3A_160 : i32
      scf.if %cond3A_161 {
        %add3A_162 = arith.constant 2 : i32
        %add3A_163 = arith.addi %add3A_119, %add3A_162 : i32
        %run_scoped3A_164 = arith.constant 1 : i32
        "tpu.region"() ({
          %run_scoped3A_194 = tpu.sem_alloc : memref<!tpu.dma_semaphore, #tpu.memory_space<semaphore_mem>>
          %dma_start3A_195 = arith.constant 0 : i32
          %dma_start3A_196 = tpu.memref_slice %arg8[%run_scoped3A_164, %dma_start3A_195] : memref<2x40xi32, #tpu.memory_space<vmem>> -> memref<1x40xi32, #tpu.memory_space<vmem>>
          %dma_start3A_197 = tpu.memref_squeeze %dma_start3A_196 : memref<1x40xi32, #tpu.memory_space<vmem>> -> memref<40xi32, #tpu.memory_space<vmem>>
          %dma_start3A_198 = arith.constant 0 : i32
          %dma_start3A_199 = tpu.memref_slice %arg3[%add3A, %add3A_163, %dma_start3A_198] : memref<32x250x40xi32, #tpu.memory_space<hbm>> -> memref<1x1x40xi32, #tpu.memory_space<hbm>>
          %dma_start3A_200 = tpu.memref_squeeze %dma_start3A_199 : memref<1x1x40xi32, #tpu.memory_space<hbm>> -> memref<40xi32, #tpu.memory_space<hbm>>
          %dma_start3A_201 = arith.constant 0 : i32
          %dma_start3A_202 = tpu.memref_slice %arg8[%run_scoped3A_164, %dma_start3A_201] : memref<2x40xi32, #tpu.memory_space<vmem>> -> memref<1x40xi32, #tpu.memory_space<vmem>>
          %dma_start3A_203 = tpu.memref_squeeze %dma_start3A_202 : memref<1x40xi32, #tpu.memory_space<vmem>> -> memref<40xi32, #tpu.memory_space<vmem>>
          %dma_start3A_204 = arith.constant 0 : i32
          %dma_start3A_205 = tpu.memref_slice %arg3[%add3A, %add3A_163, %dma_start3A_204] : memref<32x250x40xi32, #tpu.memory_space<hbm>> -> memref<1x1x40xi32, #tpu.memory_space<hbm>>
          %dma_start3A_206 = tpu.memref_squeeze %dma_start3A_205 : memref<1x1x40xi32, #tpu.memory_space<hbm>> -> memref<40xi32, #tpu.memory_space<hbm>>
          tpu.enqueue_dma source(%dma_start3A_206 : memref<40xi32, #tpu.memory_space<hbm>>) target(%dma_start3A_203 : memref<40xi32, #tpu.memory_space<vmem>>) target_semaphore(%run_scoped3A_194 : memref<!tpu.dma_semaphore, #tpu.memory_space<semaphore_mem>>)
          %dma_wait3A_207 = arith.constant 0 : i32
          %dma_wait3A_208 = tpu.memref_slice %arg8[%run_scoped3A_164, %dma_wait3A_207] : memref<2x40xi32, #tpu.memory_space<vmem>> -> memref<1x40xi32, #tpu.memory_space<vmem>>
          %dma_wait3A_209 = tpu.memref_squeeze %dma_wait3A_208 : memref<1x40xi32, #tpu.memory_space<vmem>> -> memref<40xi32, #tpu.memory_space<vmem>>
          %dma_wait3A_210 = arith.constant 0 : i32
          %dma_wait3A_211 = tpu.memref_slice %arg3[%add3A, %add3A_163, %dma_wait3A_210] : memref<32x250x40xi32, #tpu.memory_space<hbm>> -> memref<1x1x40xi32, #tpu.memory_space<hbm>>
          %dma_wait3A_212 = tpu.memref_squeeze %dma_wait3A_211 : memref<1x1x40xi32, #tpu.memory_space<hbm>> -> memref<40xi32, #tpu.memory_space<hbm>>
          %dma_wait3A_213 = arith.constant 0 : i32
          %dma_wait3A_214 = tpu.memref_slice %arg8[%run_scoped3A_164, %dma_wait3A_213] : memref<2x40xi32, #tpu.memory_space<vmem>> -> memref<1x40xi32, #tpu.memory_space<vmem>>
          %dma_wait3A_215 = tpu.memref_squeeze %dma_wait3A_214 : memref<1x40xi32, #tpu.memory_space<vmem>> -> memref<40xi32, #tpu.memory_space<vmem>>
          %dma_wait3A_216 = arith.constant 0 : i32
          %dma_wait3A_217 = tpu.memref_slice %arg3[%add3A, %add3A_163, %dma_wait3A_216] : memref<32x250x40xi32, #tpu.memory_space<hbm>> -> memref<1x1x40xi32, #tpu.memory_space<hbm>>
          %dma_wait3A_218 = tpu.memref_squeeze %dma_wait3A_217 : memref<1x1x40xi32, #tpu.memory_space<hbm>> -> memref<40xi32, #tpu.memory_space<hbm>>
          tpu.wait_dma2 semaphore(%run_scoped3A_194 : memref<!tpu.dma_semaphore, #tpu.memory_space<semaphore_mem>>) src(%dma_wait3A_218 : memref<40xi32, #tpu.memory_space<hbm>>) dst(%dma_wait3A_215 : memref<40xi32, #tpu.memory_space<vmem>>)
          tpu.yield
        }) : () -> ()
        %run_scoped3A_165 = arith.constant 1 : i32
        "tpu.region"() ({
          %run_scoped3A_194 = tpu.sem_alloc : memref<!tpu.dma_semaphore, #tpu.memory_space<semaphore_mem>>
          %dma_start3A_195 = arith.constant 0 : i32
          %dma_start3A_196 = tpu.memref_slice %arg9[%run_scoped3A_165, %dma_start3A_195] : memref<2x40xi32, #tpu.memory_space<vmem>> -> memref<1x40xi32, #tpu.memory_space<vmem>>
          %dma_start3A_197 = tpu.memref_squeeze %dma_start3A_196 : memref<1x40xi32, #tpu.memory_space<vmem>> -> memref<40xi32, #tpu.memory_space<vmem>>
          %dma_start3A_198 = arith.constant 0 : i32
          %dma_start3A_199 = tpu.memref_slice %arg4[%add3A, %add3A_163, %dma_start3A_198] : memref<32x250x40xi32, #tpu.memory_space<hbm>> -> memref<1x1x40xi32, #tpu.memory_space<hbm>>
          %dma_start3A_200 = tpu.memref_squeeze %dma_start3A_199 : memref<1x1x40xi32, #tpu.memory_space<hbm>> -> memref<40xi32, #tpu.memory_space<hbm>>
          %dma_start3A_201 = arith.constant 0 : i32
          %dma_start3A_202 = tpu.memref_slice %arg9[%run_scoped3A_165, %dma_start3A_201] : memref<2x40xi32, #tpu.memory_space<vmem>> -> memref<1x40xi32, #tpu.memory_space<vmem>>
          %dma_start3A_203 = tpu.memref_squeeze %dma_start3A_202 : memref<1x40xi32, #tpu.memory_space<vmem>> -> memref<40xi32, #tpu.memory_space<vmem>>
          %dma_start3A_204 = arith.constant 0 : i32
          %dma_start3A_205 = tpu.memref_slice %arg4[%add3A, %add3A_163, %dma_start3A_204] : memref<32x250x40xi32, #tpu.memory_space<hbm>> -> memref<1x1x40xi32, #tpu.memory_space<hbm>>
          %dma_start3A_206 = tpu.memref_squeeze %dma_start3A_205 : memref<1x1x40xi32, #tpu.memory_space<hbm>> -> memref<40xi32, #tpu.memory_space<hbm>>
          tpu.enqueue_dma source(%dma_start3A_206 : memref<40xi32, #tpu.memory_space<hbm>>) target(%dma_start3A_203 : memref<40xi32, #tpu.memory_space<vmem>>) target_semaphore(%run_scoped3A_194 : memref<!tpu.dma_semaphore, #tpu.memory_space<semaphore_mem>>)
          %dma_wait3A_207 = arith.constant 0 : i32
          %dma_wait3A_208 = tpu.memref_slice %arg9[%run_scoped3A_165, %dma_wait3A_207] : memref<2x40xi32, #tpu.memory_space<vmem>> -> memref<1x40xi32, #tpu.memory_space<vmem>>
          %dma_wait3A_209 = tpu.memref_squeeze %dma_wait3A_208 : memref<1x40xi32, #tpu.memory_space<vmem>> -> memref<40xi32, #tpu.memory_space<vmem>>
          %dma_wait3A_210 = arith.constant 0 : i32
          %dma_wait3A_211 = tpu.memref_slice %arg4[%add3A, %add3A_163, %dma_wait3A_210] : memref<32x250x40xi32, #tpu.memory_space<hbm>> -> memref<1x1x40xi32, #tpu.memory_space<hbm>>
          %dma_wait3A_212 = tpu.memref_squeeze %dma_wait3A_211 : memref<1x1x40xi32, #tpu.memory_space<hbm>> -> memref<40xi32, #tpu.memory_space<hbm>>
          %dma_wait3A_213 = arith.constant 0 : i32
          %dma_wait3A_214 = tpu.memref_slice %arg9[%run_scoped3A_165, %dma_wait3A_213] : memref<2x40xi32, #tpu.memory_space<vmem>> -> memref<1x40xi32, #tpu.memory_space<vmem>>
          %dma_wait3A_215 = tpu.memref_squeeze %dma_wait3A_214 : memref<1x40xi32, #tpu.memory_space<vmem>> -> memref<40xi32, #tpu.memory_space<vmem>>
          %dma_wait3A_216 = arith.constant 0 : i32
          %dma_wait3A_217 = tpu.memref_slice %arg4[%add3A, %add3A_163, %dma_wait3A_216] : memref<32x250x40xi32, #tpu.memory_space<hbm>> -> memref<1x1x40xi32, #tpu.memory_space<hbm>>
          %dma_wait3A_218 = tpu.memref_squeeze %dma_wait3A_217 : memref<1x1x40xi32, #tpu.memory_space<hbm>> -> memref<40xi32, #tpu.memory_space<hbm>>
          tpu.wait_dma2 semaphore(%run_scoped3A_194 : memref<!tpu.dma_semaphore, #tpu.memory_space<semaphore_mem>>) src(%dma_wait3A_218 : memref<40xi32, #tpu.memory_space<hbm>>) dst(%dma_wait3A_215 : memref<40xi32, #tpu.memory_space<vmem>>)
          tpu.yield
        }) : () -> ()
        %mul3A_166 = arith.constant 40 : i32
        %mul3A_167 = arith.muli %add3A_163, %mul3A_166 : i32
        %add3A_168 = arith.addi %mul3A_4, %mul3A_167 : i32
        %dma_start3A_169 = arith.constant 1 : i32
        %dma_start3A_170 = arith.constant 0 : i32
        %dma_start3A_171 = arith.constant 0 : i32
        %dma_start3A_172 = tpu.memref_slice %arg11[%dma_start3A_169, %dma_start3A_170, %dma_start3A_171] : memref<2x40x128xf32, #tpu.memory_space<vmem>> -> memref<1x40x128xf32, #tpu.memory_space<vmem>>
        %dma_start3A_173 = tpu.memref_squeeze %dma_start3A_172 : memref<1x40x128xf32, #tpu.memory_space<vmem>> -> memref<40x128xf32, #tpu.memory_space<vmem>>
        %dma_start3A_174 = arith.constant 0 : i32
        %dma_start3A_175 = tpu.memref_slice %arg5[%add3A_168, %dma_start3A_174] : memref<320000x128xf32, #tpu.memory_space<hbm>> -> memref<40x128xf32, #tpu.memory_space<hbm>>
        %dma_start3A_176 = arith.constant 0 : i32
        %dma_start3A_177 = arith.constant 0 : i32
        %dma_start3A_178 = tpu.memref_slice %arg11[%dma_start3A_169, %dma_start3A_176, %dma_start3A_177] : memref<2x40x128xf32, #tpu.memory_space<vmem>> -> memref<1x40x128xf32, #tpu.memory_space<vmem>>
        %dma_start3A_179 = tpu.memref_squeeze %dma_start3A_178 : memref<1x40x128xf32, #tpu.memory_space<vmem>> -> memref<40x128xf32, #tpu.memory_space<vmem>>
        %dma_start3A_180 = arith.constant 0 : i32
        %dma_start3A_181 = tpu.memref_slice %arg5[%add3A_168, %dma_start3A_180] : memref<320000x128xf32, #tpu.memory_space<hbm>> -> memref<40x128xf32, #tpu.memory_space<hbm>>
        tpu.enqueue_dma source(%dma_start3A_181 : memref<40x128xf32, #tpu.memory_space<hbm>>) target(%dma_start3A_179 : memref<40x128xf32, #tpu.memory_space<vmem>>) target_semaphore(%arg16 : memref<!tpu.dma_semaphore, #tpu.memory_space<semaphore_mem>>)
        %dma_start3A_182 = arith.constant 1 : i32
        %dma_start3A_183 = arith.constant 1 : i32
        %dma_start3A_184 = arith.constant 0 : i32
        %dma_start3A_185 = arith.constant 0 : i32
        %dma_start3A_186 = tpu.memref_slice %arg10[%dma_start3A_183, %dma_start3A_184, %dma_start3A_185] : memref<2x40x128xf32, #tpu.memory_space<vmem>> -> memref<1x40x128xf32, #tpu.memory_space<vmem>>
        %dma_start3A_187 = tpu.memref_squeeze %dma_start3A_186 : memref<1x40x128xf32, #tpu.memory_space<vmem>> -> memref<40x128xf32, #tpu.memory_space<vmem>>
        %dma_start3A_188 = arith.constant 0 : i32
        %dma_start3A_189 = tpu.memref_slice %arg8[%dma_start3A_182, %dma_start3A_188] : memref<2x40xi32, #tpu.memory_space<vmem>> -> memref<1x40xi32, #tpu.memory_space<vmem>>
        %dma_start3A_190 = tpu.memref_squeeze %dma_start3A_189 : memref<1x40xi32, #tpu.memory_space<vmem>> -> memref<40xi32, #tpu.memory_space<vmem>>
        %dma_start3A_191 = arith.constant 0 : i32
        %dma_start3A_192 = arith.constant 0 : i32
        %dma_start3A_193 = tpu.memref_slice %arg2[%dma_start3A_191, %dma_start3A_192] : memref<10000x128xf32, #tpu.memory_space<hbm>> -> memref<10000x128xf32, #tpu.memory_space<hbm>>
        tpu.enqueue_indirect_dma source(%dma_start3A_193 : memref<10000x128xf32, #tpu.memory_space<hbm>>) target(%dma_start3A_187 : memref<40x128xf32, #tpu.memory_space<vmem>>) offsets(%dma_start3A_190 : memref<40xi32, #tpu.memory_space<vmem>>) semaphore(%arg14 : memref<!tpu.dma_semaphore, #tpu.memory_space<semaphore_mem>>)
      } else {
      }
    }
    %scan3A_69 = arith.constant 125 : i32
    %barrier3A_70 = arith.constant 0 : index
    tpu.barrier barrier_id(%barrier3A_70)
    %mul3A_71 = arith.constant 640 : i32
    %mul3A_72 = arith.muli %arg1, %mul3A_71 : i32
    %mul3A_73 = arith.constant 640 : i32
    %mul3A_74 = arith.muli %arg1, %mul3A_73 : i32
    "tpu.region"() ({
      %run_scoped3A_75 = tpu.sem_alloc : memref<!tpu.dma_semaphore, #tpu.memory_space<semaphore_mem>>
      %dma_start3A_76 = arith.constant 0 : i32
      %dma_start3A_77 = tpu.memref_slice %arg7[%arg0, %mul3A_74, %dma_start3A_76] : memref<2x10240x128xf32, #tpu.memory_space<hbm>> -> memref<1x640x128xf32, #tpu.memory_space<hbm>>
      %dma_start3A_78 = tpu.memref_squeeze %dma_start3A_77 : memref<1x640x128xf32, #tpu.memory_space<hbm>> -> memref<640x128xf32, #tpu.memory_space<hbm>>
      %dma_start3A_79 = arith.constant 0 : i32
      %dma_start3A_80 = tpu.memref_slice %arg12[%mul3A_72, %dma_start3A_79] : memref<10240x128xf32, #tpu.memory_space<vmem_shared>> -> memref<640x128xf32, #tpu.memory_space<vmem_shared>>
      tpu.enqueue_dma source(%dma_start3A_80 : memref<640x128xf32, #tpu.memory_space<vmem_shared>>) target(%dma_start3A_78 : memref<640x128xf32, #tpu.memory_space<hbm>>) target_semaphore(%run_scoped3A_75 : memref<!tpu.dma_semaphore, #tpu.memory_space<semaphore_mem>>)
      %dma_wait3A = arith.constant 0 : i32
      %dma_wait3A_81 = tpu.memref_slice %arg7[%arg0, %mul3A_74, %dma_wait3A] : memref<2x10240x128xf32, #tpu.memory_space<hbm>> -> memref<1x640x128xf32, #tpu.memory_space<hbm>>
      %dma_wait3A_82 = tpu.memref_squeeze %dma_wait3A_81 : memref<1x640x128xf32, #tpu.memory_space<hbm>> -> memref<640x128xf32, #tpu.memory_space<hbm>>
      %dma_wait3A_83 = arith.constant 0 : i32
      %dma_wait3A_84 = tpu.memref_slice %arg12[%mul3A_72, %dma_wait3A_83] : memref<10240x128xf32, #tpu.memory_space<vmem_shared>> -> memref<640x128xf32, #tpu.memory_space<vmem_shared>>
      tpu.wait_dma2 semaphore(%run_scoped3A_75 : memref<!tpu.dma_semaphore, #tpu.memory_space<semaphore_mem>>) src(%dma_wait3A_84 : memref<640x128xf32, #tpu.memory_space<vmem_shared>>) dst(%dma_wait3A_82 : memref<640x128xf32, #tpu.memory_space<hbm>>)
      tpu.yield
    }) : () -> ()
    return
  }
}

</mosaic_0001>

<sc_bundles>
// kernel: _sc_edge.3.cloned.1.call-start
scs
__scs_entry_jumppad:
0x0: {  	(pc) =	sbr.rel $0x88, $3  }
0x1: {  	(tag) =	ssettag $0x0;
	lr =	simm.s32 $0x1  }
0x2: {  	[smem:$0x3F9C] =	sst lr;
	_ =	strace $0xD0000000  }
0x3: {  	_ = 	snop  }
0x4: {  	_ = 	snop  }
0x5: {  	_ = 	snop  }
0x6: {  	_ = 	snop  }
0x7: {  	_ = 	snop  }
__scs_overlays_trampoline_lowered:
0x8: {  	[smem:$0x3FAB] =	sst s0  }
0x9: {  	[smem:$0x3FAC] =	sst s1  }
0xa: {  	[smem:$0x3FAD] =	sst s2  }
0xb: {  	[smem:$0x3FAE] =	sst s3  }
0xc: {  	[smem:$0x3FAF] =	sst s4  }
0xd: {  	[smem:$0x3FB0] =	sst s5  }
0xe: {  	[smem:$0x3FB1] =	sst s6  }
0xf: {  	[smem:$0x3FB2] =	sst s7  }
0x10: {  	[smem:$0x3FB3] =	sst s8  }
0x11: {  	[smem:$0x3FB4] =	sst s9;
	s0 =	simm.s32 @!p0 $0x0  }
0x12: {  	s1 =	sld [smem:$0x3F9A];
	s0 =	simm.s32 @p0 $0x1  }
0x13: {  	[smem:$0x3FB5] =	sst s0;
	s0 =	simm.s32 @!p1 $0x0  }
0x14: {  	s2 =	sld [smem:$0x3F99];
	s0 =	simm.s32 @p1 $0x1  }
0x15: {  	[smem:$0x3FB6] =	sst s0;
	s0 =	simm.s32 @!p2 $0x0  }
0x16: {  	s3 =	sld [smem:$0x3FDB];
	s0 =	simm.s32 @p2 $0x1  }
0x17: {  	s4 =	simm.s32 $0x1BF5;
	[smem:$0x3FB8] =	sst s0  }
0x18: {  	s0 =	sld [smem:$0x3F9B];
	_ =	swait.ge [sflag:s4], $0x0  }
0x19: {  	s7 =	sld [smem:$0x3F9C]  }
0x1a: {  	s8 =	sadd.s32 $0xFFFFE003, lr  }
0x1b: {  	s9 =	sadd.s32 $0xFFFFFEF7, lr;
	s5 =	simm.s32 $0xFFFFFFFF;
	p2 =	slt.u32 s8, $0xFFFFF086  }
0x1c: {  	p1 =	slt.u32 s9, $0xF7A;
	s5 =	simm.s32 @!p2 $0x0  }
0x1d: {  	s5 =	simm.s32 @p1 $0x1;
	p0 =	seq.s32 s7, s2  }
0x1e: {  	s7 =	smul.u32 @!p0 $0xF7A, s2;
	p2 =	seq.s32 @!p0 s5, $0x0  }
0x1f: {  	s9 =	smul.u32 $0xF7A, s1;
	s8 =	simm.s32 @!p0 $0x1BF5;
	p2 =	por !p2, p0  }
0x20: {  	[sflag:s8] =	ssyncset.s32 @!p0 $0xFFFFF086;
	s6 =	sadd.s32 @!p0 s3, s7;
	s7 =	simm.s32 @!p0 $0x108  }
0x21: {  	s3 =	sadd.s32 s3, s9;
	s6 =	sadd.s32 @!p0 $0x88, s6;
	s7 =	simm.s32 @p2 $0x1082  }
0x22: {  	[simem:s7], [sflag:s8] =	dma.local @!p0 [hbm:s6], $0xF7A  }
0x23: {  	s9 =	sor.u32 $0xD0000000, s2;
	s6 =	simm.s32 $0x108;
	_ =	swait.ge @!p0 [sflag:s8], $0x0  }
0x24: {  	s3 =	sadd.s32 $0x88, s3;
	s6 =	simm.s32 @!p1 $0x1082;
	[sflag:s4] =	ssyncset.s32 $0xFFFFF086  }
0x25: {  	[simem:s6], [sflag:s4] =	dma.local [hbm:s3], $0xF7A  }
0x26: {  	[smem:$0x3F9C] =	sst s1;
	(tag) =	ssettag s2;
	_ =	strace s9  }
0x27: {  	s1 =	sld [smem:$0x3FAC]  }
0x28: {  	s2 =	sld [smem:$0x3FAD]  }
0x29: {  	s4 =	sld [smem:$0x3FAF]  }
0x2a: {  	p0 =	seq.s32 s5, $0x0;
	s5 =	sld [smem:$0x3FB0]  }
0x2b: {  	s6 =	sld [smem:$0x3FB1]  }
0x2c: {  	s7 =	sld [smem:$0x3FB2]  }
0x2d: {  	s3 =	simm.s32 $0x108;
	s8 =	sld [smem:$0x3FB3]  }
0x2e: {  	s3 =	simm.s32 @!p0 $0x1082;
	s9 =	sld [smem:$0x3FB4]  }
0x2f: {  	lr =	sadd.s32 s0, s3;
	s0 =	sld [smem:$0x3FAB]  }
0x30: {  	s3 =	sld [smem:$0x3FAE]  }
0x31: {  	[smem:$0x3FB7] =	sst s10  }
0x32: {  	s10 =	sld [smem:$0x3FB5];
	_ =	sdelay $0x3  }
0x33: {  	p0 =	seq.s32 s10, $0x1;
	s10 =	sld [smem:$0x3FB7];
	_ =	sdelay $0x3  }
0x34: {  	[smem:$0x3FB7] =	sst s10  }
0x35: {  	s10 =	sld [smem:$0x3FB6];
	_ =	sdelay $0x3  }
0x36: {  	p1 =	seq.s32 s10, $0x1;
	s10 =	sld [smem:$0x3FB7];
	_ =	sdelay $0x3  }
0x37: {  	[smem:$0x3FB7] =	sst s10  }
0x38: {  	s10 =	sld [smem:$0x3FB8]  }
0x39: {  	_ = 	snop;
	(pc) =	sbr.ind lr, $3  }
0x3a: {  	_ = 	snop  }
0x3b: {  	_ = 	snop  }
0x3c: {  	p2 =	seq.s32 s10, $0x1;
	s10 =	sld [smem:$0x3FB7]  }
0x3d: {  	_ =	shalt  }
0x3e: {  	_ =	shalt  }
0x3f: {  	_ =	shalt  }
0x40: {  	_ =	shalt  }
0x41: {  	_ =	shalt  }
0x42: {  	_ =	shalt  }
0x43: {  	_ =	shalt  }
0x44: {  	_ =	shalt  }
0x45: {  	_ =	shalt  }
0x46: {  	_ =	shalt  }
0x47: {  	_ =	shalt  }
0x48: {  	_ =	shalt  }
0x49: {  	_ =	shalt  }
0x4a: {  	_ =	shalt  }
0x4b: {  	_ =	shalt  }
0x4c: {  	_ =	shalt  }
0x4d: {  	_ =	shalt  }
0x4e: {  	_ =	shalt  }
0x4f: {  	_ =	shalt  }
0x50: {  	_ =	shalt  }
0x51: {  	_ =	shalt  }
0x52: {  	_ =	shalt  }
0x53: {  	_ =	shalt  }
0x54: {  	_ =	shalt  }
0x55: {  	_ =	shalt  }
0x56: {  	_ =	shalt  }
0x57: {  	_ =	shalt  }
0x58: {  	_ =	shalt  }
0x59: {  	_ =	shalt  }
0x5a: {  	_ =	shalt  }
0x5b: {  	_ =	shalt  }
0x5c: {  	_ =	shalt  }
0x5d: {  	_ =	shalt  }
0x5e: {  	_ =	shalt  }
0x5f: {  	_ =	shalt  }
0x60: {  	_ =	shalt  }
0x61: {  	_ =	shalt  }
0x62: {  	_ =	shalt  }
0x63: {  	_ =	shalt  }
0x64: {  	_ =	shalt  }
0x65: {  	_ =	shalt  }
0x66: {  	_ =	shalt  }
0x67: {  	_ =	shalt  }
0x68: {  	_ =	shalt  }
0x69: {  	_ =	shalt  }
0x6a: {  	_ =	shalt  }
0x6b: {  	_ =	shalt  }
0x6c: {  	_ =	shalt  }
0x6d: {  	_ =	shalt  }
0x6e: {  	_ =	shalt  }
0x6f: {  	_ =	shalt  }
0x70: {  	_ =	shalt  }
0x71: {  	_ =	shalt  }
0x72: {  	_ =	shalt  }
0x73: {  	_ =	shalt  }
0x74: {  	_ =	shalt  }
0x75: {  	_ =	shalt  }
0x76: {  	_ =	shalt  }
0x77: {  	_ =	shalt  }
0x78: {  	_ =	shalt  }
0x79: {  	_ =	shalt  }
0x7a: {  	_ =	shalt  }
0x7b: {  	_ =	shalt  }
0x7c: {  	_ =	shalt  }
0x7d: {  	_ =	shalt  }
0x7e: {  	_ =	shalt  }
0x7f: {  	_ =	shalt  }
0x80: {  	_ =	shalt  }
0x81: {  	_ =	shalt  }
0x82: {  	_ =	shalt  }
0x83: {  	_ =	shalt  }
0x84: {  	_ =	shalt  }
0x85: {  	_ =	shalt  }
0x86: {  	_ =	shalt  }
0x87: {  	_ =	shalt  }
.Lfunc_end0:
.L_simem_size_0:
called_computation_lowered:
.L_overlay_start_0:
0x88: {  	s2 =	sld [smem:$0x3FD9]  }
0x89: {  	s3 =	sld [smem:$0x3FFE];
	_ =	sdelay $0x1  }
0x8a: {  	s1 =	srdreg.scid  }
0x8b: {  	s0 =	sand.u32 $0x1, s1  }
0x8c: {  	s17 =	sshll.u32 s0, $0xA;
	s2 =	sadd.s32 s3, s2  }
0x8d: {  	s2 =	sadd.s32 s2, s17  }
0x8e: {  	[smem:$0x3FC3] =	sst s2  }
0x8f: {  	_ = 	snop  }
0x90: {  	s2 =	sld [smem:$0x3FC9]  }
0x91: {  	s18 =	sld [smem:$0x3FC6]  }
0x92: {  	s4 =	sld [smem:$0x3FC5]  }
0x93: {  	s5 =	sld [smem:$0x3FD0];
	(tm) =	ssettm $0x1  }
0x94: {  	s6 =	sld [smem:$0x3FFB];
	_ =	sdelay $0x3  }
0x95: {  	_ =	strace s6  }
0x96: {  	s6 =	sld [smem:$0x3FFC];
	_ =	sdelay $0x3  }
0x97: {  	_ =	strace s6  }
0x98: {  	s6 =	sld [smem:$0x3FFD];
	_ =	sdelay $0x3  }
0x99: {  	_ =	strace s6  }
0x9a: {  	_ =	strace $0x8FFFFFFF  }
0x9b: {  	s19 =	sld [smem:$0x3FDB];
	_ =	sdelay $0x1  }
0x9c: {  	s7 =	simm.s32 $_scs_section_size  }
0x9d: {  	s8 =	simm.s32 $_size__tile_overlayer_lowered;
	s9 =	simm.s32 $_tile_overlayer_lowered  }
0x9e: {  	s22 =	simm.s32 $0x1BFF;
	s21 =	sshll.u32 s9, $0x1;
	s6 =	sadd.s32 s7, s19  }
0x9f: {  	s10 =	simm.s32 $0x0;
	s20 =	sshll.u32 s8, $0x1;
	s8 =	sadd.s32 s21, s6  }
0xa0: {  	[timem:s10], [sflag:s22] =	dma.local [hbm:s8], s20  }
0xa1: {  	_ =	swait.ge [sflag:s22], s20  }
0xa2: {  	s7 =	ssub.s32 $0x0, s20;
	[sflag:s22] =	ssyncset.done $0x0  }
0xa3: {  	[sflag:s22] =	ssyncadd.s32 s7;
	_ =	sdelay $0x1  }
0xa4: {  	s23 =	simm.s32 $0x1B8B  }
0xa5: {  	_ =	swait.ge [sflag:s23], $0x1  }
0xa6: {  	[sflag:s23] =	ssyncset.done $0x0  }
0xa7: {  	s25 =	simm.s32 $0x1B8E;
	s24 =	sld [smem:$0x3FFE];
	[sflag:s23] =	ssyncadd.s32 $0xFFFFFFFF  }
0xa8: {  	s26 =	simm.s32 $execute0_lowered;
	[smem:$0x3FD2] =	sst s25  }
0xa9: {  	s8 =	sshll.u32 s26, $0x1;
	_ =	strace $0x80000046;
	[dreg:$0x1] =	wrdreg $0xFFFFFFFF  }
0xaa: {  	s28 =	simm.s32 $_size_execute0_lowered;
	s6 =	sadd.s32 s6, s8;
	[dreg:$0x0] =	wrdreg $0x0  }
0xab: {  	s8 =	sshll.u32 s28, $0x1;
	[dreg:$0x2] =	wrdreg s6  }
0xac: {  	[dreg:$0x3] =	wrdreg s8  }
0xad: {  	[dreg:$0x4] =	wrdreg $0xC0  }
0xae: {  	_ =	task [dreg:s10], $0x5FFFF  }
0xaf: {  	[dreg:$0x1] =	wrdreg $0xFFFFFFFF  }
0xb0: {  	[dreg:$0x0] =	wrdreg $0x60  }
0xb1: {  	[dreg:$0x2] =	wrdreg s2  }
0xb2: {  	[dreg:$0x3] =	wrdreg s24  }
0xb3: {  	[dreg:$0x4] =	wrdreg s18  }
0xb4: {  	[dreg:$0x5] =	wrdreg s4  }
0xb5: {  	[dreg:$0x6] =	wrdreg s5  }
0xb6: {  	[dreg:$0x7] =	wrdreg $0x52000  }
0xb7: {  	[dreg:$0x8] =	wrdreg $0x9  }
0xb8: {  	_ =	task.clear_ibuf [dreg:s10], $0x9FFFF;
	_ =	strace $0x90000046  }
0xb9: {  	s29 =	simm.s32 $0x9;
	_ =	strace $0x80000048  }
0xba: {  	_ =	swait.ge [sflag:s29], $0x1  }
0xbb: {  	[sflag:s29] =	ssyncadd.s32 $0xFFFFFFFF  }
0xbc: {  	_ =	strace $0x90000048  }
0xbd: {  	_ =	sfence  }
0xbe: {  	s30 =	sld [smem:$0x0];
	_ =	sdelay $0x2  }
0xbf: {  	s31 =	sshll.u32 s1, $0xD;
	s1 =	sshrl.u32 s1, $0x2  }
0xc0: {  	s3 =	sand.u32 $0x4000, s31;
	s1 =	sadd.s32 s1, s30  }
0xc1: {  	s0 =	sor.u32 s3, s0;
	s1 =	sshll.u32 s1, $0x11  }
0xc2: {  	s0 =	sor.u32 s1, s0  }
0xc3: {  	s0 =	sadd.s32 $0x8F2B, s0  }
0xc4: {  	[sflag:s0] =	ssyncadd.remote.s32 $0x1  }
0xc5: {  	_ =	sfence.sel $0xFFFF  }
0xc6: {  	[dreg:$0x0] =	wrdreg $0xFFFFFFFF;
	(pc) =	sbr.abs _section_cstart, $3  }
0xc7: {  	[dreg:$0x1] =	wrdreg $0xFFFFFFFF  }
0xc8: {  	_ =	task.clear_ibuf [dreg:s10], $0x2FFFF;
	_ =	strace $0x9FFFFFFF  }
0xc9: {  	(tm) =	ssettm $0x7FFFFFFF  }
tec
execute0_lowered:
.L_overlay_start_1:
0x0: {  	(tag) =	ssettag $0x1  }
0x1: {  	s1 =	rddreg [dreg:$0x0]  }
0x2: {  	s0 =	rddreg [dreg:$0x1]  }
0x3: {  	s2 =	rddreg [dreg:$0x2]  }
0x4: {  	s3 =	rddreg [dreg:$0x4]  }
0x5: {  	s4 =	rddreg [dreg:$0x5]  }
0x6: {  	s5 =	simm.s32 $0x0;
	s6 =	srdreg.scid;
	s16 =	stileid.u32  }
0x7: {  	s28 =	simm.s32 $0x180;
	s29 =	simm.s32 $0x3E00;
	s30 =	simm.s32 $0x1600  }
0x8: {  	s31 =	simm.s32 $0x3;
	[smem:$0x7FF] =	sst s5;
	s6 =	sand.u32 $0x1, s6  }
0x9: {  	s7 =	sadd.s32 $0x600, s0;
	s12 =	smul.u32 $0x50000, s16;
	s23 =	sshll.u32 s16, $0x6  }
0xa: {  	s8 =	sshll.u32 s6, $0x4;
	s10 =	ssub.s32 $0x2, s6;
	s6 =	smul.u32 $0x140000, s6  }
0xb: {  	_ =	strace $0x80000047;
	s11 =	sor.u32 s16, s8;
	s16 =	smul.u32 $0x14000, s16  }
0xc: {  	s8 =	sadd.s32 $0x20600, s0;
	s20 =	sshrl.u32 s10, $0x1;
	s9 =	smul.u32 $0x2710, s11  }
0xd: {  	s21 =	sshrl.u32 s12, $0x2;
	s0 =	ssub.s32 s10, s20;
	s22 =	smul.u32 $0x27100, s11  }
0xe: {  	s13 =	sadd.s32 s21, s4;
	s14 =	smul.u32 $0x138800, s11;
	s10 =	sor.u32 $0x1C05, s23  }
0xf: {  	s15 =	sshll.u32 s11, $0xC;
	s11 =	sshll.u32 s11, $0xF;
	s21 =	simm.s32 $0x5  }
0x10: {  	s23 =	simm.s32 $0x0;
	s17 =	sadd.s32 s7, s15;
	s24 =	sadd.s32 s8, s15  }
0x11: {  	s25 =	sor.u32 $0x10, s15;
	s6 =	sadd.s32 s16, s6;
	s19 =	smax.u32 s0, $0x1  }
0x12: {  	s20 =	sshrl.u32 s13, $0x3;
	s0 =	simm.s32 $0x1;
	[dreg:$0x7] =	wrdreg s17  }
0x13: {  	[dreg:$0x8] =	wrdreg s24;
	s12 =	sadd.s32 s2, s22;
	s15 =	sadd.s32 s7, s25  }
0x14: {  	s14 =	sshrl.u32 s14, $0x3;
	s6 =	sshrl.u32 s6, $0x3;
	s22 =	simm.s32 $0x100  }
.Ltmp0:
0x15: {  	s24 =	simm.s32 $0x28;
	[dreg:$0x9] =	wrdreg s12;
	(pc) =	sbr.rel .LBB2_1-.Ltmp0, $4  }
0x16: {  	[dreg:$0xa] =	wrdreg s15;
	s12 =	sadd.s32 s8, s25;
	s26 =	sadd.s32 s2, s14  }
0x17: {  	s3 =	sadd.s32 s3, s6;
	s25 =	simm.s32 $0x200;
	[dreg:$0xb] =	wrdreg s12  }
0x18: {  	s6 =	simm.s32 $0x4;
	s12 =	sadd.s32 $0x280, s26;
	[dreg:$0xd] =	wrdreg s3  }
0x19: {  	s26 =	simm.s32 $0x80;
	s3 =	simm.s32 $0x2;
	[dreg:$0xc] =	wrdreg s12  }
.LBB2_8:
0x1a: {  	s23 =	sadd.s32 $0x1, s23  }
0x1b: {  	[bflag:$0x0] =	sbarrier.arrive $0xFFFF;
	p0 =	sne.s32 s23, s19  }
.Ltmp1:
0x1c: {  	s12 =	rddreg [dreg:$0xd];
	(pc) =	sbr.rel @!p0 .LBB2_9-.Ltmp1, $4  }
0x1d: {  	[hbm:s12], [sflag:s10] =	dma.local [spmem:s20], $0x2800  }
0x1e: {  	_ =	swait.ge [sflag:s21], $0x2800  }
0x1f: {  	[sflag:s21] =	ssyncset.done $0x0  }
0x20: {  	[sflag:s21] =	ssyncadd.s32 $0xFFFFD800  }
.LBB2_1:
0x21: {  	s12 =	rddreg [dreg:$0x3]  }
0x22: {  	[spmem:s20], [sflag:s10] =	dma.local [hbm:s12], $0x2800  }
0x23: {  	_ =	swait.ge [sflag:s21], $0x2800  }
0x24: {  	[sflag:s21] =	ssyncset.done $0x0  }
0x25: {  	[sflag:s21] =	ssyncadd.s32 $0xFFFFD800  }
0x26: {  	[bflag:$0x0] =	sbarrier.arrive $0xFFFF  }
0x27: {  	s13 =	rddreg [dreg:$0x7]  }
0x28: {  	[tilespmem:s5], [sflag:$0x5] =	stream.linear.gather [hbm4b:s13+s5], $0x80, $0x38;
	[tilespmem:$0x19200] =	vst v63  }
0x29: {  	_ =	swait.ge [sflag:s21], $0x80  }
0x2a: {  	[sflag:s21] =	ssyncset.done $0x0  }
0x2b: {  	s14 =	rddreg [dreg:$0x8];
	[sflag:s21] =	ssyncadd.s32 $0xFFFFFF80  }
0x2c: {  	[tilespmem:s22], [sflag:$0x5] =	stream.linear.gather [hbm4b:s14+s5], $0x80, $0x38;
	[tilespmem:$0x19200] =	vst v63  }
0x2d: {  	_ =	swait.ge [sflag:s21], $0x80  }
0x2e: {  	[sflag:s21] =	ssyncset.done $0x0  }
0x2f: {  	s13 =	simm.s32 $0x2A00;
	s15 =	rddreg [dreg:$0x9];
	[sflag:s21] =	ssyncadd.s32 $0xFFFFFF80  }
0x30: {  	[tilespmem:s13], [sflag:$0x3] =	stream.linear.gather [hbm4b:s15+s5], $0x1400, $0x38;
	[tilespmem:$0x19200] =	vst v63  }
0x31: {  	_ = 	snop  }
0x32: {  	[tilespmem:s25], [sflag:$0x1] =	stream.indirect.gather [hbm4b:s1+s24], $0x80, s5, s24, $0xb8;
	[tilespmem:$0x19200] =	vst v63  }
0x33: {  	s16 =	rddreg [dreg:$0xa]  }
0x34: {  	[tilespmem:s26], [sflag:$0x5] =	stream.linear.gather [hbm4b:s16+s5], $0x80, $0x38;
	[tilespmem:$0x19200] =	vst v63  }
0x35: {  	_ =	swait.ge [sflag:s21], $0x80  }
0x36: {  	[sflag:s21] =	ssyncset.done $0x0  }
0x37: {  	s17 =	rddreg [dreg:$0xb];
	[sflag:s21] =	ssyncadd.s32 $0xFFFFFF80  }
0x38: {  	[tilespmem:s28], [sflag:$0x5] =	stream.linear.gather [hbm4b:s17+s5], $0x80, $0x38;
	[tilespmem:$0x19200] =	vst v63  }
0x39: {  	_ =	swait.ge [sflag:s21], $0x80  }
0x3a: {  	[sflag:s21] =	ssyncset.done $0x0  }
0x3b: {  	s18 =	rddreg [dreg:$0xc];
	[sflag:s21] =	ssyncadd.s32 $0xFFFFFF80  }
0x3c: {  	[tilespmem:s29], [sflag:$0x4] =	stream.linear.gather [hbm4b:s18+s5], $0x1400, $0x38;
	[tilespmem:$0x19200] =	vst v63  }
0x3d: {  	s12 =	simm.s32 $0x0  }
0x3e: {  	[tilespmem:s30], [sflag:$0x2] =	stream.indirect.gather [hbm4b:s1+s24], $0x80, s26, s24, $0xb8;
	[tilespmem:$0x19200] =	vst v63  }
.LBB2_2:
0x3f: {  	_ =	swait.ge [sflag:s31], $0x1400  }
0x40: {  	[sflag:s31] =	ssyncset.done $0x0  }
0x41: {  	[sflag:s31] =	ssyncadd.s32 $0xFFFFEC00  }
0x42: {  	_ =	swait.ge [sflag:s0], $0x1400  }
0x43: {  	[sflag:s0] =	ssyncset.done $0x0  }
0x44: {  	s13 =	simm.s32 $0x0;
	[sflag:s0] =	ssyncadd.s32 $0xFFFFEC00  }
0x45: {  	v6 =	vld [tilespmem:s13+$0x2A00]  }
0x46: {  	v11 =	vld [tilespmem:s13+$0x2A10]  }
0x47: {  	v5 =	vld [tilespmem:s13+$0x2A20]  }
0x48: {  	v4 =	vld [tilespmem:s13+$0x2A30]  }
0x49: {  	v3 =	vld [tilespmem:s13+$0x2A40]  }
0x4a: {  	v2 =	vld [tilespmem:s13+$0x2A50]  }
0x4b: {  	v1 =	vld [tilespmem:s13+$0x2A60]  }
0x4c: {  	v0 =	vld [tilespmem:s13+$0x2A70]  }
0x4d: {  	v12 =	vld [tilespmem:s13+$0x200]  }
0x4e: {  	v13 =	vld [tilespmem:s13+$0x210]  }
0x4f: {  	v10 =	vld [tilespmem:s13+$0x220]  }
0x50: {  	v9 =	vld [tilespmem:s13+$0x230]  }
0x51: {  	v8 =	vld [tilespmem:s13+$0x240]  }
0x52: {  	v7 =	vld [tilespmem:s13+$0x250];
	v12 =	vadd.f32 v6, v12  }
0x53: {  	s14 =	simm.s32 $0x200;
	v11 =	vadd.f32 v11, v13;
	v6 =	vld [tilespmem:s13+$0x260]  }
.LBB2_3:
0x54: {  	s15 =	sshra.s32 s14, $0x2;
	p0 =	sne.s32 s14, $0x4E00;
	v12 =	vmax.f32 v12, $0.0e+00;
	v5 =	vadd.f32 v5, v10;
	v10 =	vld [tilespmem:s13+$0x270]  }
0x55: {  	v13 =	vld [tilespmem:s15+$0x2A00];
	[tilespmem:s13+$0x200] =	vst v12;
	v11 =	vmax.f32 v11, $0.0e+00;
	v4 =	vadd.f32 v4, v9  }
0x56: {  	v14 =	vld [tilespmem:s15+$0x2A10];
	[tilespmem:s13+$0x210] =	vst v11;
	v9 =	vmax.f32 v5, $0.0e+00;
	v3 =	vadd.f32 v3, v8  }
0x57: {  	v5 =	vld [tilespmem:s15+$0x2A20];
	[tilespmem:s13+$0x220] =	vst v9;
	v8 =	vmax.f32 v4, $0.0e+00;
	v2 =	vadd.f32 v2, v7  }
0x58: {  	v4 =	vld [tilespmem:s15+$0x2A30];
	[tilespmem:s13+$0x230] =	vst v8;
	v7 =	vmax.f32 v3, $0.0e+00;
	v1 =	vadd.f32 v1, v6  }
0x59: {  	v3 =	vld [tilespmem:s15+$0x2A40];
	[tilespmem:s13+$0x240] =	vst v7;
	v6 =	vmax.f32 v2, $0.0e+00;
	v0 =	vadd.f32 v0, v10  }
0x5a: {  	v2 =	vld [tilespmem:s15+$0x2A50];
	[tilespmem:s13+$0x250] =	vst v6;
	v6 =	vmax.f32 v1, $0.0e+00  }
0x5b: {  	v1 =	vld [tilespmem:s15+$0x2A60];
	[tilespmem:s13+$0x260] =	vst v6;
	v6 =	vmax.f32 v0, $0.0e+00  }
0x5c: {  	v0 =	vld [tilespmem:s15+$0x2A70];
	[tilespmem:s13+$0x270] =	vst v6;
	s13 =	smov.u32 s15  }
0x5d: {  	v6 =	vld [tilespmem:s13+$0x200]  }
0x5e: {  	v11 =	vld [tilespmem:s13+$0x210]  }
.Ltmp2:
0x5f: {  	v10 =	vld [tilespmem:s13+$0x220];
	(pc) =	sbr.rel @p0 .LBB2_3-.Ltmp2, $4  }
0x60: {  	v9 =	vld [tilespmem:s13+$0x230]  }
0x61: {  	v8 =	vld [tilespmem:s13+$0x240]  }
0x62: {  	v12 =	vadd.f32 v13, v6;
	v7 =	vld [tilespmem:s13+$0x250]  }
0x63: {  	s14 =	sadd.s32 $0x200, s14;
	v11 =	vadd.f32 v14, v11;
	v6 =	vld [tilespmem:s13+$0x260]  }
0x64: {  	v12 =	vmax.f32 v12, $0.0e+00;
	v5 =	vadd.f32 v5, v10;
	v10 =	vld [tilespmem:s13+$0x270]  }
0x65: {  	[tilespmem:s13+$0x200] =	vst v12;
	v11 =	vmax.f32 v11, $0.0e+00;
	v4 =	vadd.f32 v4, v9  }
0x66: {  	[tilespmem:s13+$0x210] =	vst v11;
	v5 =	vmax.f32 v5, $0.0e+00;
	v3 =	vadd.f32 v3, v8  }
0x67: {  	[tilespmem:s13+$0x220] =	vst v5;
	v4 =	vmax.f32 v4, $0.0e+00;
	v2 =	vadd.f32 v2, v7  }
0x68: {  	[tilespmem:s13+$0x230] =	vst v4;
	v3 =	vmax.f32 v3, $0.0e+00;
	v1 =	vadd.f32 v1, v6  }
0x69: {  	[tilespmem:s13+$0x240] =	vst v3;
	v2 =	vmax.f32 v2, $0.0e+00;
	v0 =	vadd.f32 v0, v10  }
0x6a: {  	[tilespmem:s13+$0x250] =	vst v2;
	v1 =	vmax.f32 v1, $0.0e+00  }
0x6b: {  	[tilespmem:s13+$0x260] =	vst v1;
	v0 =	vmax.f32 v0, $0.0e+00  }
0x6c: {  	p0 =	seq.s32 s12, $0x7C;
	[tilespmem:s13+$0x270] =	vst v0;
	s13 =	sshll.u32 s12, $0x1  }
0x6d: {  	[spmem:s4] =	stream.indirect.scatter.add.f32 [tilespmem:s25], [sflag:$0x5], $0x80, s22, s24, $0xb8;
	[tilespmem:$0x19200] =	vst v63  }
0x6e: {  	s14 =	sadd.s32 @!p0 $0x2, s13  }
0x6f: {  	s15 =	sshll.u32 @!p0 s14, $0x7  }
0x70: {  	s16 =	sand.u32 @!p0 $0xFC00, s15  }
0x71: {  	s15 =	sand.u32 @!p0 $0x300, s15;
	s16 =	sadd.s32 @!p0 s11, s16  }
0x72: {  	_ =	swait.ge [sflag:s21], $0x1400;
	s15 =	sor.u32 @!p0 s15, s16  }
0x73: {  	[sflag:s21] =	ssyncset.done $0x0;
	s15 =	sshrl.u32 @!p0 s15, $0x3  }
0x74: {  	s17 =	simm.s32 @!p0 $0x0;
	[sflag:s21] =	ssyncadd.s32 $0xFFFFEC00;
	s16 =	sadd.s32 @!p0 s7, s15  }
0x75: {  	[tilespmem:s17], [sflag:$0x5] =	stream.linear.gather @!p0 [hbm4b:s16+s17], $0x80, $0x38;
	[tilespmem:$0x19200] =	vst v63  }
0x76: {  	s16 =	simm.s32 @!p0 $0x5  }
0x77: {  	_ =	swait.ge @!p0 [sflag:s16], $0x80  }
0x78: {  	s18 =	simm.s32 @!p0 $0x100;
	[sflag:s16] =	ssyncset.done @!p0 $0x0  }
0x79: {  	s14 =	smul.u32 @!p0 $0x28, s14;
	s15 =	sadd.s32 @!p0 s8, s15;
	[sflag:s16] =	ssyncadd.s32 @!p0 $0xFFFFFF80  }
0x7a: {  	[tilespmem:s18], [sflag:$0x5] =	stream.linear.gather @!p0 [hbm4b:s15+s17], $0x80, $0x38;
	[tilespmem:$0x19200] =	vst v63  }
0x7b: {  	s14 =	sadd.s32 @!p0 s9, s14;
	_ =	swait.ge @!p0 [sflag:s16], $0x80  }
0x7c: {  	s14 =	sshll.u32 @!p0 s14, $0x4;
	[sflag:s16] =	ssyncset.done @!p0 $0x0  }
0x7d: {  	s14 =	sadd.s32 @!p0 s2, s14;
	s15 =	simm.s32 @!p0 $0x2A00;
	[sflag:s16] =	ssyncadd.s32 @!p0 $0xFFFFFF80  }
0x7e: {  	[tilespmem:s15], [sflag:$0x3] =	stream.linear.gather @!p0 [hbm4b:s14+s17], $0x1400, $0x38;
	[tilespmem:$0x19200] =	vst v63  }
0x7f: {  	s14 =	simm.s32 @!p0 $0x28;
	s15 =	simm.s32 @!p0 $0x200  }
0x80: {  	[tilespmem:s15], [sflag:$0x1] =	stream.indirect.gather @!p0 [hbm4b:s1+s14], $0x80, s17, s14, $0xb8;
	[tilespmem:$0x19200] =	vst v63  }
0x81: {  	_ =	swait.ge [sflag:s6], $0x1400  }
0x82: {  	[sflag:s6] =	ssyncset.done $0x0  }
0x83: {  	[sflag:s6] =	ssyncadd.s32 $0xFFFFEC00  }
0x84: {  	_ =	swait.ge [sflag:s3], $0x1400  }
0x85: {  	[sflag:s3] =	ssyncset.done $0x0  }
0x86: {  	s14 =	simm.s32 $0x0;
	[sflag:s3] =	ssyncadd.s32 $0xFFFFEC00  }
0x87: {  	v6 =	vld [tilespmem:s14+$0x3E00]  }
0x88: {  	v11 =	vld [tilespmem:s14+$0x3E10]  }
0x89: {  	v5 =	vld [tilespmem:s14+$0x3E20]  }
0x8a: {  	v4 =	vld [tilespmem:s14+$0x3E30]  }
0x8b: {  	v3 =	vld [tilespmem:s14+$0x3E40]  }
0x8c: {  	v2 =	vld [tilespmem:s14+$0x3E50]  }
0x8d: {  	v1 =	vld [tilespmem:s14+$0x3E60]  }
0x8e: {  	v0 =	vld [tilespmem:s14+$0x3E70]  }
0x8f: {  	v12 =	vld [tilespmem:s14+$0x1600]  }
0x90: {  	v13 =	vld [tilespmem:s14+$0x1610]  }
0x91: {  	v10 =	vld [tilespmem:s14+$0x1620]  }
0x92: {  	v9 =	vld [tilespmem:s14+$0x1630]  }
0x93: {  	v8 =	vld [tilespmem:s14+$0x1640]  }
0x94: {  	v7 =	vld [tilespmem:s14+$0x1650];
	v12 =	vadd.f32 v6, v12  }
0x95: {  	s15 =	simm.s32 $0x200;
	v11 =	vadd.f32 v11, v13;
	v6 =	vld [tilespmem:s14+$0x1660]  }
.LBB2_5:
0x96: {  	s16 =	sshra.s32 s15, $0x2;
	p1 =	sne.s32 s15, $0x4E00;
	v12 =	vmax.f32 v12, $0.0e+00;
	v5 =	vadd.f32 v5, v10;
	v10 =	vld [tilespmem:s14+$0x1670]  }
0x97: {  	v13 =	vld [tilespmem:s16+$0x3E00];
	[tilespmem:s14+$0x1600] =	vst v12;
	v11 =	vmax.f32 v11, $0.0e+00;
	v4 =	vadd.f32 v4, v9  }
0x98: {  	v14 =	vld [tilespmem:s16+$0x3E10];
	[tilespmem:s14+$0x1610] =	vst v11;
	v9 =	vmax.f32 v5, $0.0e+00;
	v3 =	vadd.f32 v3, v8  }
0x99: {  	v5 =	vld [tilespmem:s16+$0x3E20];
	[tilespmem:s14+$0x1620] =	vst v9;
	v8 =	vmax.f32 v4, $0.0e+00;
	v2 =	vadd.f32 v2, v7  }
0x9a: {  	v4 =	vld [tilespmem:s16+$0x3E30];
	[tilespmem:s14+$0x1630] =	vst v8;
	v7 =	vmax.f32 v3, $0.0e+00;
	v1 =	vadd.f32 v1, v6  }
0x9b: {  	v3 =	vld [tilespmem:s16+$0x3E40];
	[tilespmem:s14+$0x1640] =	vst v7;
	v6 =	vmax.f32 v2, $0.0e+00;
	v0 =	vadd.f32 v0, v10  }
0x9c: {  	v2 =	vld [tilespmem:s16+$0x3E50];
	[tilespmem:s14+$0x1650] =	vst v6;
	v6 =	vmax.f32 v1, $0.0e+00  }
0x9d: {  	v1 =	vld [tilespmem:s16+$0x3E60];
	[tilespmem:s14+$0x1660] =	vst v6;
	v6 =	vmax.f32 v0, $0.0e+00  }
0x9e: {  	v0 =	vld [tilespmem:s16+$0x3E70];
	[tilespmem:s14+$0x1670] =	vst v6;
	s14 =	smov.u32 s16  }
0x9f: {  	v6 =	vld [tilespmem:s14+$0x1600]  }
0xa0: {  	v11 =	vld [tilespmem:s14+$0x1610]  }
.Ltmp3:
0xa1: {  	v10 =	vld [tilespmem:s14+$0x1620];
	(pc) =	sbr.rel @p1 .LBB2_5-.Ltmp3, $4  }
0xa2: {  	v9 =	vld [tilespmem:s14+$0x1630]  }
0xa3: {  	v8 =	vld [tilespmem:s14+$0x1640]  }
0xa4: {  	v12 =	vadd.f32 v13, v6;
	v7 =	vld [tilespmem:s14+$0x1650]  }
0xa5: {  	s15 =	sadd.s32 $0x200, s15;
	v11 =	vadd.f32 v14, v11;
	v6 =	vld [tilespmem:s14+$0x1660]  }
0xa6: {  	v12 =	vmax.f32 v12, $0.0e+00;
	v5 =	vadd.f32 v5, v10;
	v63 =	vld [tilespmem:s14+$0x1670]  }
0xa7: {  	[tilespmem:s14+$0x1600] =	vst v12;
	v11 =	vmax.f32 v11, $0.0e+00;
	v4 =	vadd.f32 v4, v9  }
0xa8: {  	[tilespmem:s14+$0x1610] =	vst v11;
	v5 =	vmax.f32 v5, $0.0e+00;
	v3 =	vadd.f32 v3, v8  }
0xa9: {  	[tilespmem:s14+$0x1620] =	vst v5;
	v4 =	vmax.f32 v4, $0.0e+00;
	v2 =	vadd.f32 v2, v7  }
0xaa: {  	[tilespmem:s14+$0x1630] =	vst v4;
	v3 =	vmax.f32 v3, $0.0e+00;
	v1 =	vadd.f32 v1, v6  }
0xab: {  	[tilespmem:s14+$0x1640] =	vst v3;
	v2 =	vmax.f32 v2, $0.0e+00;
	v0 =	vadd.f32 v0, v63  }
0xac: {  	[tilespmem:s14+$0x1650] =	vst v2;
	v1 =	vmax.f32 v1, $0.0e+00  }
0xad: {  	[tilespmem:s14+$0x1660] =	vst v1;
	v0 =	vmax.f32 v0, $0.0e+00  }
.Ltmp4:
0xae: {  	[tilespmem:s14+$0x1670] =	vst v0;
	(pc) =	sbr.rel @p0 .LBB2_8-.Ltmp4, $4  }
0xaf: {  	[spmem:s4] =	stream.indirect.scatter.add.f32 [tilespmem:s30], [sflag:$0x5], $0x80, s28, s24, $0xb8;
	[tilespmem:$0x19200] =	vst v63  }
0xb0: {  	_ =	swait.ge [sflag:s21], $0x1400  }
0xb1: {  	[sflag:s21] =	ssyncset.done $0x0  }
0xb2: {  	[sflag:s21] =	ssyncadd.s32 $0xFFFFEC00  }
0xb3: {  	s13 =	sadd.s32 $0x3, s13  }
0xb4: {  	s14 =	sshll.u32 s13, $0x7  }
0xb5: {  	s15 =	sand.u32 $0xFC00, s14  }
0xb6: {  	s14 =	sand.u32 $0x380, s14;
	s15 =	sadd.s32 s11, s15  }
0xb7: {  	s14 =	sor.u32 s14, s15  }
0xb8: {  	s14 =	sshrl.u32 s14, $0x3  }
0xb9: {  	s18 =	sadd.s32 s7, s14  }
0xba: {  	[tilespmem:s26], [sflag:$0x5] =	stream.linear.gather [hbm4b:s18+s5], $0x80, $0x38;
	[tilespmem:$0x19200] =	vst v63  }
0xbb: {  	_ =	swait.ge [sflag:s21], $0x80  }
0xbc: {  	[sflag:s21] =	ssyncset.done $0x0  }
0xbd: {  	s13 =	smul.u32 $0x28, s13;
	s14 =	sadd.s32 s8, s14;
	[sflag:s21] =	ssyncadd.s32 $0xFFFFFF80  }
0xbe: {  	[tilespmem:s28], [sflag:$0x5] =	stream.linear.gather [hbm4b:s14+s5], $0x80, $0x38;
	[tilespmem:$0x19200] =	vst v63  }
0xbf: {  	s13 =	sadd.s32 s9, s13;
	_ =	swait.ge [sflag:s21], $0x80  }
.Ltmp5:
0xc0: {  	s13 =	sshll.u32 s13, $0x4;
	[sflag:s21] =	ssyncset.done $0x0;
	(pc) =	sbr.rel .LBB2_2-.Ltmp5, $4  }
0xc1: {  	s13 =	sadd.s32 s2, s13;
	[sflag:s21] =	ssyncadd.s32 $0xFFFFFF80  }
0xc2: {  	[tilespmem:s29], [sflag:$0x4] =	stream.linear.gather [hbm4b:s13+s5], $0x1400, $0x38;
	[tilespmem:$0x19200] =	vst v63  }
0xc3: {  	s12 =	sadd.s32 $0x1, s12  }
0xc4: {  	[tilespmem:s30], [sflag:$0x2] =	stream.indirect.gather [hbm4b:s1+s24], $0x80, s26, s24, $0xb8;
	[tilespmem:$0x19200] =	vst v63  }
.LBB2_9:
0xc5: {  	_ =	sfence.sel $0x180000  }
0xc6: {  	[bflag:$0x0] =	sbarrier.arrive $0xFFFF  }
0xc7: {  	_ =	strace $0x90000047  }
0xc8: {  	s0 =	stileid.u32;
	[bflag:$0x2] =	sbarrier.arrive $0xFFFF  }
0xc9: {  	p0 =	sne.s32 s0, $0x0;
	s0 =	rddreg [dreg:$0x6]  }
0xca: {  	s0 =	sadd.s32 @!p0 $0x100000, s0  }
0xcb: {  	[sflag:s0] =	ssyncadd.tile.s32 @!p0 $0x1;
	_ =	shalt  }
.Lfunc_end2:
_tile_overlayer_lowered:
.L_overlay_start_2:
0xcc: {  	(tag) =	ssettag $0x2  }
0xcd: {  	s0 =	rddreg [dreg:$0x0];
	s2 =	stileid.u32  }
0xce: {  	s1 =	rddreg [dreg:$0x1];
	p0 =	sne.s32 s2, $0x0  }
0xcf: {  	s3 =	rddreg [dreg:$0x2];
	[bflag:$0x3] =	sbarrier.arrive $0xFFFF;
	s2 =	simm.s32 @!p0 $0x1C05  }
0xd0: {  	[timem:s3], [sflag:s2] =	dma.local @!p0 [hbm:s0], s1  }
0xd1: {  	s0 =	simm.s32 @!p0 $0x5  }
0xd2: {  	_ =	swait.ge @!p0 [sflag:s0], s1  }
0xd3: {  	s1 =	ssub.s32 @!p0 $0x0, s1;
	[sflag:s0] =	ssyncset.done @!p0 $0x0  }
0xd4: {  	[sflag:s0] =	ssyncadd.s32 @!p0 s1  }
0xd5: {  	[bflag:$0x3] =	sbarrier.arrive $0xFFFF  }
0xd6: {  	_ =	shalt  }

</sc_bundles>
